<compile_context>
chip_gen: v7x
topology: tpu7x:2x2x1
jax: 0.10.2.dev20260603
libtpu: 0.0.44.dev20260713+nightly
codegen_flags: <defaults>
</compile_context>

<pallas_src>
import functools

import jax
import jax.numpy as jnp
from jax import lax
from jax.experimental import pallas as pl
from jax.experimental.pallas import tpu as pltpu
from jax.experimental.pallas import tpu_sc as plsc

VOCAB = 100000
POS = 514
D = 128
B = 1024
L = 200
N = B * L

NUM_CORES = 2
NUM_SUBCORES = 16
NW = NUM_CORES * NUM_SUBCORES
N_PER_W = N // NW
CB = 80
NCH = N_PER_W // CB
LANES = 16
COLS = D // LANES


def _body(act_hbm, st_hbm, pos_hbm, at_hbm, stt_hbm, pt_hbm, out_hbm,
          ia, isx, ip, pt_sh,
          a0, s0, p0, o0, a1, s1, p1, o1,
          sa0, ss0, sp0, so0, sa1, ss1, sp1, so1):
    sid = lax.axis_index("s")
    wid = sid * NUM_CORES + lax.axis_index("c")
    base = wid * N_PER_W

    @pl.when(sid == 0)
    def _():
        pltpu.sync_copy(pt_hbm, pt_sh)

    pltpu.sync_copy(act_hbm.at[wid], ia)
    pltpu.sync_copy(st_hbm.at[wid], isx)
    pltpu.sync_copy(pos_hbm.at[wid], ip)
    plsc.subcore_barrier()

    stages = (
        (a0, s0, p0, o0, sa0, ss0, sp0, so0),
        (a1, s1, p1, o1, sa1, ss1, sp1, so1),
    )

    def start_gathers(c, st):
        a_v, s_v, p_v, _, sa, ss, sp, _ = st
        pltpu.async_copy(at_hbm.at[ia.at[c]], a_v, sa)
        pltpu.async_copy(stt_hbm.at[isx.at[c]], s_v, ss)
        pltpu.async_copy(pt_sh.at[ip.at[c]], p_v, sp)

    def wait_gathers(c, st):
        a_v, s_v, p_v, _, sa, ss, sp, _ = st
        pltpu.make_async_copy(at_hbm.at[ia.at[c]], a_v, sa).wait()
        pltpu.make_async_copy(stt_hbm.at[isx.at[c]], s_v, ss).wait()
        pltpu.make_async_copy(pt_sh.at[ip.at[c]], p_v, sp).wait()

    def out_slice(c):
        return out_hbm.at[pl.ds(base + c * CB, CB)]

    start_gathers(0, stages[0])
    start_gathers(1, stages[1])

    def body(cc, _):
        for s in range(2):
            st = stages[s]
            a_v, s_v, p_v, o_v, sa, ss, sp, so = st
            c = 2 * cc + s
            wait_gathers(c, st)

            @pl.when(cc > 0)
            def _():
                pltpu.make_async_copy(o_v, out_slice(c - 2), so).wait()

            def row(r, _):
                for j in range(COLS):
                    sl = pl.ds(j * LANES, LANES)
                    o_v[r, sl] = a_v[r, sl] + s_v[r, sl] + p_v[r, sl]
                return _

            lax.fori_loop(0, CB, row, None)
            pltpu.async_copy(o_v, out_slice(c), so)

            @pl.when(cc < NCH // 2 - 1)
            def _():
                start_gathers(c + 2, st)
        return _

    lax.fori_loop(0, NCH // 2, body, None)

    pltpu.make_async_copy(o0, out_slice(NCH - 2), so0).wait()
    pltpu.make_async_copy(o1, out_slice(NCH - 1), so1).wait()


@jax.jit
def _run(actions_idx, states_idx, positions_idx,
         action_table, state_table, pos_table):
    mesh = plsc.VectorSubcoreMesh(core_axis_name="c", subcore_axis_name="s")
    row_buf = pltpu.VMEM((CB, D), jnp.float32)
    f = pl.kernel(
        _body,
        out_type=jax.ShapeDtypeStruct((N, D), jnp.float32),
        mesh=mesh,
        scratch_types=(
            [pltpu.VMEM((NCH, CB), jnp.int32)] * 3
            + [pltpu.VMEM_SHARED((POS, D), jnp.float32)]
            + [row_buf] * 8
            + [pltpu.SemaphoreType.DMA] * 8
        ),
    )
    return f(actions_idx, states_idx, positions_idx,
             action_table, state_table, pos_table)


def kernel(actions, states, positions, action_table, state_table, pos_table):
    a = actions.reshape(NW, NCH, CB).astype(jnp.int32)
    s = states.reshape(NW, NCH, CB).astype(jnp.int32)
    p = positions.reshape(NW, NCH, CB).astype(jnp.int32)
    out = _run(a, s, p, action_table, state_table, pos_table)
    return out.reshape(B, L, D)

# --- scband reference (transcript-rebuilt; emitter-appended) ---
"""Pipeline reference for scband-learnable-embedding-7533372637338 (READ-ONLY COPY).

The authoritative reference and input builder live on the scoring server;
editing this copy changes nothing except your own understanding.
"""

import jax, jax.numpy as jnp
import numpy as np

VOCAB = 100000
POS = 514
D = 128
B = 1024
L = 200
SCALE = 1.0

def setup_inputs(seed: int = 0) -> dict:
    key = jax.random.key(seed)
    k1, k2, k3, k4, k5, k6 = jax.random.split(key, 6)
    actions = jax.random.randint(k1, (B, L), 0, VOCAB, dtype=jnp.int64) if jax.config.jax_enable_x64 else jax.random.randint(k1, (B, L), 0, VOCAB, dtype=jnp.int32)
    states = jax.random.randint(k2, (B, L), 0, VOCAB, dtype=actions.dtype)
    positions = jax.random.randint(k3, (B, L), 0, POS, dtype=actions.dtype)
    action_table = jax.random.normal(k4, (VOCAB, D), dtype=jnp.float32) * 0.02
    state_table = jax.random.normal(k5, (VOCAB, D), dtype=jnp.float32) * 0.02
    pos_table = jax.random.normal(k6, (POS, D), dtype=jnp.float32) * 0.02
    return {"actions": actions, "states": states, "positions": positions,
            "action_table": action_table, "state_table": state_table, "pos_table": pos_table}

def reference(actions, states, positions, action_table, state_table, pos_table):
    # ScoringEmbedding: sum of action, state and position embeddings, scaled by embedding_norm_scalar
    a = jnp.take(action_table, actions, axis=0)   # [B, L, D] gather
    s = jnp.take(state_table, states, axis=0)     # [B, L, D] gather
    p = jnp.take(pos_table, positions, axis=0)    # [B, L, D] gather
    return (a + s + p) * SCALE

if __name__ == "__main__":
    import jax
    _d = setup_inputs()
    print(jax.jit(kernel)(*tuple(_d.values())))

</pallas_src>

<mosaic_0001>
#map = affine_map<(d0, d1) -> (0, 0, 0)>
#map1 = affine_map<(d0, d1) -> (0, 0)>
module attributes {stable_mosaic.version = 14 : i64} {
  func.func @_body(%arg0: i32, %arg1: i32, %arg2: memref<32x80x80xi32, #tpu.memory_space<hbm>>, %arg3: memref<32x80x80xi32, #tpu.memory_space<hbm>>, %arg4: memref<32x80x80xi32, #tpu.memory_space<hbm>>, %arg5: memref<100000x128xf32, #tpu.memory_space<hbm>>, %arg6: memref<100000x128xf32, #tpu.memory_space<hbm>>, %arg7: memref<514x128xf32, #tpu.memory_space<hbm>>, %arg8: memref<204800x128xf32, #tpu.memory_space<hbm>>, %arg9: memref<80x80xi32, #tpu.memory_space<vmem>>, %arg10: memref<80x80xi32, #tpu.memory_space<vmem>>, %arg11: memref<80x80xi32, #tpu.memory_space<vmem>>, %arg12: memref<514x128xf32, #tpu.memory_space<vmem_shared>>, %arg13: memref<80x128xf32, #tpu.memory_space<vmem>>, %arg14: memref<80x128xf32, #tpu.memory_space<vmem>>, %arg15: memref<80x128xf32, #tpu.memory_space<vmem>>, %arg16: memref<80x128xf32, #tpu.memory_space<vmem>>, %arg17: memref<80x128xf32, #tpu.memory_space<vmem>>, %arg18: memref<80x128xf32, #tpu.memory_space<vmem>>, %arg19: memref<80x128xf32, #tpu.memory_space<vmem>>, %arg20: memref<80x128xf32, #tpu.memory_space<vmem>>, %arg21: memref<!tpu.dma_semaphore, #tpu.memory_space<semaphore_mem>>, %arg22: memref<!tpu.dma_semaphore, #tpu.memory_space<semaphore_mem>>, %arg23: memref<!tpu.dma_semaphore, #tpu.memory_space<semaphore_mem>>, %arg24: memref<!tpu.dma_semaphore, #tpu.memory_space<semaphore_mem>>, %arg25: memref<!tpu.dma_semaphore, #tpu.memory_space<semaphore_mem>>, %arg26: memref<!tpu.dma_semaphore, #tpu.memory_space<semaphore_mem>>, %arg27: memref<!tpu.dma_semaphore, #tpu.memory_space<semaphore_mem>>, %arg28: memref<!tpu.dma_semaphore, #tpu.memory_space<semaphore_mem>>) attributes {dimension_semantics = [#tpu.dimension_semantics<core_parallel>, #tpu.dimension_semantics<subcore_parallel>], iteration_bounds = array<i64: 2, 16>, scalar_prefetch = 0 : i64, scratch_operands = 20 : i64, tpu.core_type = #tpu.core_type<sc_vector_subcore>, window_params = [{transform_indices = #map}, {transform_indices = #map}, {transform_indices = #map}, {transform_indices = #map1}, {transform_indices = #map1}, {transform_indices = #map1}, {transform_indices = #map1}]} {
    %mul3A = arith.constant 2 : i32
    %mul3A_0 = arith.muli %arg1, %mul3A : i32
    %add3A = arith.addi %mul3A_0, %arg0 : i32
    %mul3A_1 = arith.constant 6400 : i32
    %mul3A_2 = arith.muli %add3A, %mul3A_1 : i32
    %eq3A = arith.constant 0 : i32
    %eq3A_3 = arith.cmpi eq, %arg1, %eq3A : i32
    %convert_element_type3A = arith.extui %eq3A_3 : i1 to i32
    %cond3A = arith.constant 0 : i32
    %cond3A_4 = arith.cmpi ne, %convert_element_type3A, %cond3A : i32
    scf.if %cond3A_4 {
      "tpu.region"() ({
        %run_scoped3A = tpu.sem_alloc : memref<!tpu.dma_semaphore, #tpu.memory_space<semaphore_mem>>
        tpu.enqueue_dma source(%arg7 : memref<514x128xf32, #tpu.memory_space<hbm>>) target(%arg12 : memref<514x128xf32, #tpu.memory_space<vmem_shared>>) target_semaphore(%run_scoped3A : memref<!tpu.dma_semaphore, #tpu.memory_space<semaphore_mem>>)
        tpu.wait_dma2 semaphore(%run_scoped3A : memref<!tpu.dma_semaphore, #tpu.memory_space<semaphore_mem>>) src(%arg7 : memref<514x128xf32, #tpu.memory_space<hbm>>) dst(%arg12 : memref<514x128xf32, #tpu.memory_space<vmem_shared>>)
        tpu.yield
      }) : () -> ()
    } else {
    }
    "tpu.region"() ({
      %run_scoped3A = tpu.sem_alloc : memref<!tpu.dma_semaphore, #tpu.memory_space<semaphore_mem>>
      %dma_start3A_61 = arith.constant 0 : i32
      %dma_start3A_62 = arith.constant 0 : i32
      %dma_start3A_63 = tpu.memref_slice %arg2[%add3A, %dma_start3A_61, %dma_start3A_62] : memref<32x80x80xi32, #tpu.memory_space<hbm>> -> memref<1x80x80xi32, #tpu.memory_space<hbm>>
      %dma_start3A_64 = tpu.memref_squeeze %dma_start3A_63 : memref<1x80x80xi32, #tpu.memory_space<hbm>> -> memref<80x80xi32, #tpu.memory_space<hbm>>
      %dma_start3A_65 = arith.constant 0 : i32
      %dma_start3A_66 = arith.constant 0 : i32
      %dma_start3A_67 = tpu.memref_slice %arg2[%add3A, %dma_start3A_65, %dma_start3A_66] : memref<32x80x80xi32, #tpu.memory_space<hbm>> -> memref<1x80x80xi32, #tpu.memory_space<hbm>>
      %dma_start3A_68 = tpu.memref_squeeze %dma_start3A_67 : memref<1x80x80xi32, #tpu.memory_space<hbm>> -> memref<80x80xi32, #tpu.memory_space<hbm>>
      tpu.enqueue_dma source(%dma_start3A_68 : memref<80x80xi32, #tpu.memory_space<hbm>>) target(%arg9 : memref<80x80xi32, #tpu.memory_space<vmem>>) target_semaphore(%run_scoped3A : memref<!tpu.dma_semaphore, #tpu.memory_space<semaphore_mem>>)
      %dma_wait3A_69 = arith.constant 0 : i32
      %dma_wait3A_70 = arith.constant 0 : i32
      %dma_wait3A_71 = tpu.memref_slice %arg2[%add3A, %dma_wait3A_69, %dma_wait3A_70] : memref<32x80x80xi32, #tpu.memory_space<hbm>> -> memref<1x80x80xi32, #tpu.memory_space<hbm>>
      %dma_wait3A_72 = tpu.memref_squeeze %dma_wait3A_71 : memref<1x80x80xi32, #tpu.memory_space<hbm>> -> memref<80x80xi32, #tpu.memory_space<hbm>>
      %dma_wait3A_73 = arith.constant 0 : i32
      %dma_wait3A_74 = arith.constant 0 : i32
      %dma_wait3A_75 = tpu.memref_slice %arg2[%add3A, %dma_wait3A_73, %dma_wait3A_74] : memref<32x80x80xi32, #tpu.memory_space<hbm>> -> memref<1x80x80xi32, #tpu.memory_space<hbm>>
      %dma_wait3A_76 = tpu.memref_squeeze %dma_wait3A_75 : memref<1x80x80xi32, #tpu.memory_space<hbm>> -> memref<80x80xi32, #tpu.memory_space<hbm>>
      tpu.wait_dma2 semaphore(%run_scoped3A : memref<!tpu.dma_semaphore, #tpu.memory_space<semaphore_mem>>) src(%dma_wait3A_76 : memref<80x80xi32, #tpu.memory_space<hbm>>) dst(%arg9 : memref<80x80xi32, #tpu.memory_space<vmem>>)
      tpu.yield
    }) : () -> ()
    "tpu.region"() ({
      %run_scoped3A = tpu.sem_alloc : memref<!tpu.dma_semaphore, #tpu.memory_space<semaphore_mem>>
      %dma_start3A_61 = arith.constant 0 : i32
      %dma_start3A_62 = arith.constant 0 : i32
      %dma_start3A_63 = tpu.memref_slice %arg3[%add3A, %dma_start3A_61, %dma_start3A_62] : memref<32x80x80xi32, #tpu.memory_space<hbm>> -> memref<1x80x80xi32, #tpu.memory_space<hbm>>
      %dma_start3A_64 = tpu.memref_squeeze %dma_start3A_63 : memref<1x80x80xi32, #tpu.memory_space<hbm>> -> memref<80x80xi32, #tpu.memory_space<hbm>>
      %dma_start3A_65 = arith.constant 0 : i32
      %dma_start3A_66 = arith.constant 0 : i32
      %dma_start3A_67 = tpu.memref_slice %arg3[%add3A, %dma_start3A_65, %dma_start3A_66] : memref<32x80x80xi32, #tpu.memory_space<hbm>> -> memref<1x80x80xi32, #tpu.memory_space<hbm>>
      %dma_start3A_68 = tpu.memref_squeeze %dma_start3A_67 : memref<1x80x80xi32, #tpu.memory_space<hbm>> -> memref<80x80xi32, #tpu.memory_space<hbm>>
      tpu.enqueue_dma source(%dma_start3A_68 : memref<80x80xi32, #tpu.memory_space<hbm>>) target(%arg10 : memref<80x80xi32, #tpu.memory_space<vmem>>) target_semaphore(%run_scoped3A : memref<!tpu.dma_semaphore, #tpu.memory_space<semaphore_mem>>)
      %dma_wait3A_69 = arith.constant 0 : i32
      %dma_wait3A_70 = arith.constant 0 : i32
      %dma_wait3A_71 = tpu.memref_slice %arg3[%add3A, %dma_wait3A_69, %dma_wait3A_70] : memref<32x80x80xi32, #tpu.memory_space<hbm>> -> memref<1x80x80xi32, #tpu.memory_space<hbm>>
      %dma_wait3A_72 = tpu.memref_squeeze %dma_wait3A_71 : memref<1x80x80xi32, #tpu.memory_space<hbm>> -> memref<80x80xi32, #tpu.memory_space<hbm>>
      %dma_wait3A_73 = arith.constant 0 : i32
      %dma_wait3A_74 = arith.constant 0 : i32
      %dma_wait3A_75 = tpu.memref_slice %arg3[%add3A, %dma_wait3A_73, %dma_wait3A_74] : memref<32x80x80xi32, #tpu.memory_space<hbm>> -> memref<1x80x80xi32, #tpu.memory_space<hbm>>
      %dma_wait3A_76 = tpu.memref_squeeze %dma_wait3A_75 : memref<1x80x80xi32, #tpu.memory_space<hbm>> -> memref<80x80xi32, #tpu.memory_space<hbm>>
      tpu.wait_dma2 semaphore(%run_scoped3A : memref<!tpu.dma_semaphore, #tpu.memory_space<semaphore_mem>>) src(%dma_wait3A_76 : memref<80x80xi32, #tpu.memory_space<hbm>>) dst(%arg10 : memref<80x80xi32, #tpu.memory_space<vmem>>)
      tpu.yield
    }) : () -> ()
    "tpu.region"() ({
      %run_scoped3A = tpu.sem_alloc : memref<!tpu.dma_semaphore, #tpu.memory_space<semaphore_mem>>
      %dma_start3A_61 = arith.constant 0 : i32
      %dma_start3A_62 = arith.constant 0 : i32
      %dma_start3A_63 = tpu.memref_slice %arg4[%add3A, %dma_start3A_61, %dma_start3A_62] : memref<32x80x80xi32, #tpu.memory_space<hbm>> -> memref<1x80x80xi32, #tpu.memory_space<hbm>>
      %dma_start3A_64 = tpu.memref_squeeze %dma_start3A_63 : memref<1x80x80xi32, #tpu.memory_space<hbm>> -> memref<80x80xi32, #tpu.memory_space<hbm>>
      %dma_start3A_65 = arith.constant 0 : i32
      %dma_start3A_66 = arith.constant 0 : i32
      %dma_start3A_67 = tpu.memref_slice %arg4[%add3A, %dma_start3A_65, %dma_start3A_66] : memref<32x80x80xi32, #tpu.memory_space<hbm>> -> memref<1x80x80xi32, #tpu.memory_space<hbm>>
      %dma_start3A_68 = tpu.memref_squeeze %dma_start3A_67 : memref<1x80x80xi32, #tpu.memory_space<hbm>> -> memref<80x80xi32, #tpu.memory_space<hbm>>
      tpu.enqueue_dma source(%dma_start3A_68 : memref<80x80xi32, #tpu.memory_space<hbm>>) target(%arg11 : memref<80x80xi32, #tpu.memory_space<vmem>>) target_semaphore(%run_scoped3A : memref<!tpu.dma_semaphore, #tpu.memory_space<semaphore_mem>>)
      %dma_wait3A_69 = arith.constant 0 : i32
      %dma_wait3A_70 = arith.constant 0 : i32
      %dma_wait3A_71 = tpu.memref_slice %arg4[%add3A, %dma_wait3A_69, %dma_wait3A_70] : memref<32x80x80xi32, #tpu.memory_space<hbm>> -> memref<1x80x80xi32, #tpu.memory_space<hbm>>
      %dma_wait3A_72 = tpu.memref_squeeze %dma_wait3A_71 : memref<1x80x80xi32, #tpu.memory_space<hbm>> -> memref<80x80xi32, #tpu.memory_space<hbm>>
      %dma_wait3A_73 = arith.constant 0 : i32
      %dma_wait3A_74 = arith.constant 0 : i32
      %dma_wait3A_75 = tpu.memref_slice %arg4[%add3A, %dma_wait3A_73, %dma_wait3A_74] : memref<32x80x80xi32, #tpu.memory_space<hbm>> -> memref<1x80x80xi32, #tpu.memory_space<hbm>>
      %dma_wait3A_76 = tpu.memref_squeeze %dma_wait3A_75 : memref<1x80x80xi32, #tpu.memory_space<hbm>> -> memref<80x80xi32, #tpu.memory_space<hbm>>
      tpu.wait_dma2 semaphore(%run_scoped3A : memref<!tpu.dma_semaphore, #tpu.memory_space<semaphore_mem>>) src(%dma_wait3A_76 : memref<80x80xi32, #tpu.memory_space<hbm>>) dst(%arg11 : memref<80x80xi32, #tpu.memory_space<vmem>>)
      tpu.yield
    }) : () -> ()
    %barrier3A = arith.constant 0 : index
    tpu.barrier barrier_id(%barrier3A)
    %dma_start3A = arith.constant 0 : i32
    %dma_start3A_5 = arith.constant 0 : i32
    %dma_start3A_6 = tpu.memref_slice %arg9[%dma_start3A, %dma_start3A_5] : memref<80x80xi32, #tpu.memory_space<vmem>> -> memref<1x80xi32, #tpu.memory_space<vmem>>
    %dma_start3A_7 = tpu.memref_squeeze %dma_start3A_6 : memref<1x80xi32, #tpu.memory_space<vmem>> -> memref<80xi32, #tpu.memory_space<vmem>>
    %dma_start3A_8 = arith.constant 0 : i32
    %dma_start3A_9 = arith.constant 0 : i32
    %dma_start3A_10 = tpu.memref_slice %arg5[%dma_start3A_8, %dma_start3A_9] : memref<100000x128xf32, #tpu.memory_space<hbm>> -> memref<100000x128xf32, #tpu.memory_space<hbm>>
    tpu.enqueue_indirect_dma source(%dma_start3A_10 : memref<100000x128xf32, #tpu.memory_space<hbm>>) target(%arg13 : memref<80x128xf32, #tpu.memory_space<vmem>>) offsets(%dma_start3A_7 : memref<80xi32, #tpu.memory_space<vmem>>) semaphore(%arg21 : memref<!tpu.dma_semaphore, #tpu.memory_space<semaphore_mem>>)
    %dma_start3A_11 = arith.constant 0 : i32
    %dma_start3A_12 = arith.constant 0 : i32
    %dma_start3A_13 = tpu.memref_slice %arg10[%dma_start3A_11, %dma_start3A_12] : memref<80x80xi32, #tpu.memory_space<vmem>> -> memref<1x80xi32, #tpu.memory_space<vmem>>
    %dma_start3A_14 = tpu.memref_squeeze %dma_start3A_13 : memref<1x80xi32, #tpu.memory_space<vmem>> -> memref<80xi32, #tpu.memory_space<vmem>>
    %dma_start3A_15 = arith.constant 0 : i32
    %dma_start3A_16 = arith.constant 0 : i32
    %dma_start3A_17 = tpu.memref_slice %arg6[%dma_start3A_15, %dma_start3A_16] : memref<100000x128xf32, #tpu.memory_space<hbm>> -> memref<100000x128xf32, #tpu.memory_space<hbm>>
    tpu.enqueue_indirect_dma source(%dma_start3A_17 : memref<100000x128xf32, #tpu.memory_space<hbm>>) target(%arg14 : memref<80x128xf32, #tpu.memory_space<vmem>>) offsets(%dma_start3A_14 : memref<80xi32, #tpu.memory_space<vmem>>) semaphore(%arg22 : memref<!tpu.dma_semaphore, #tpu.memory_space<semaphore_mem>>)
    %dma_start3A_18 = arith.constant 0 : i32
    %dma_start3A_19 = arith.constant 0 : i32
    %dma_start3A_20 = tpu.memref_slice %arg11[%dma_start3A_18, %dma_start3A_19] : memref<80x80xi32, #tpu.memory_space<vmem>> -> memref<1x80xi32, #tpu.memory_space<vmem>>
    %dma_start3A_21 = tpu.memref_squeeze %dma_start3A_20 : memref<1x80xi32, #tpu.memory_space<vmem>> -> memref<80xi32, #tpu.memory_space<vmem>>
    %dma_start3A_22 = arith.constant 0 : i32
    %dma_start3A_23 = arith.constant 0 : i32
    %dma_start3A_24 = tpu.memref_slice %arg12[%dma_start3A_22, %dma_start3A_23] : memref<514x128xf32, #tpu.memory_space<vmem_shared>> -> memref<514x128xf32, #tpu.memory_space<vmem_shared>>
    tpu.enqueue_indirect_dma source(%dma_start3A_24 : memref<514x128xf32, #tpu.memory_space<vmem_shared>>) target(%arg15 : memref<80x128xf32, #tpu.memory_space<vmem>>) offsets(%dma_start3A_21 : memref<80xi32, #tpu.memory_space<vmem>>) semaphore(%arg23 : memref<!tpu.dma_semaphore, #tpu.memory_space<semaphore_mem>>)
    %dma_start3A_25 = arith.constant 1 : i32
    %dma_start3A_26 = arith.constant 0 : i32
    %dma_start3A_27 = tpu.memref_slice %arg9[%dma_start3A_25, %dma_start3A_26] : memref<80x80xi32, #tpu.memory_space<vmem>> -> memref<1x80xi32, #tpu.memory_space<vmem>>
    %dma_start3A_28 = tpu.memref_squeeze %dma_start3A_27 : memref<1x80xi32, #tpu.memory_space<vmem>> -> memref<80xi32, #tpu.memory_space<vmem>>
    %dma_start3A_29 = arith.constant 0 : i32
    %dma_start3A_30 = arith.constant 0 : i32
    %dma_start3A_31 = tpu.memref_slice %arg5[%dma_start3A_29, %dma_start3A_30] : memref<100000x128xf32, #tpu.memory_space<hbm>> -> memref<100000x128xf32, #tpu.memory_space<hbm>>
    tpu.enqueue_indirect_dma source(%dma_start3A_31 : memref<100000x128xf32, #tpu.memory_space<hbm>>) target(%arg17 : memref<80x128xf32, #tpu.memory_space<vmem>>) offsets(%dma_start3A_28 : memref<80xi32, #tpu.memory_space<vmem>>) semaphore(%arg25 : memref<!tpu.dma_semaphore, #tpu.memory_space<semaphore_mem>>)
    %dma_start3A_32 = arith.constant 1 : i32
    %dma_start3A_33 = arith.constant 0 : i32
    %dma_start3A_34 = tpu.memref_slice %arg10[%dma_start3A_32, %dma_start3A_33] : memref<80x80xi32, #tpu.memory_space<vmem>> -> memref<1x80xi32, #tpu.memory_space<vmem>>
    %dma_start3A_35 = tpu.memref_squeeze %dma_start3A_34 : memref<1x80xi32, #tpu.memory_space<vmem>> -> memref<80xi32, #tpu.memory_space<vmem>>
    %dma_start3A_36 = arith.constant 0 : i32
    %dma_start3A_37 = arith.constant 0 : i32
    %dma_start3A_38 = tpu.memref_slice %arg6[%dma_start3A_36, %dma_start3A_37] : memref<100000x128xf32, #tpu.memory_space<hbm>> -> memref<100000x128xf32, #tpu.memory_space<hbm>>
    tpu.enqueue_indirect_dma source(%dma_start3A_38 : memref<100000x128xf32, #tpu.memory_space<hbm>>) target(%arg18 : memref<80x128xf32, #tpu.memory_space<vmem>>) offsets(%dma_start3A_35 : memref<80xi32, #tpu.memory_space<vmem>>) semaphore(%arg26 : memref<!tpu.dma_semaphore, #tpu.memory_space<semaphore_mem>>)
    %dma_start3A_39 = arith.constant 1 : i32
    %dma_start3A_40 = arith.constant 0 : i32
    %dma_start3A_41 = tpu.memref_slice %arg11[%dma_start3A_39, %dma_start3A_40] : memref<80x80xi32, #tpu.memory_space<vmem>> -> memref<1x80xi32, #tpu.memory_space<vmem>>
    %dma_start3A_42 = tpu.memref_squeeze %dma_start3A_41 : memref<1x80xi32, #tpu.memory_space<vmem>> -> memref<80xi32, #tpu.memory_space<vmem>>
    %dma_start3A_43 = arith.constant 0 : i32
    %dma_start3A_44 = arith.constant 0 : i32
    %dma_start3A_45 = tpu.memref_slice %arg12[%dma_start3A_43, %dma_start3A_44] : memref<514x128xf32, #tpu.memory_space<vmem_shared>> -> memref<514x128xf32, #tpu.memory_space<vmem_shared>>
    tpu.enqueue_indirect_dma source(%dma_start3A_45 : memref<514x128xf32, #tpu.memory_space<vmem_shared>>) target(%arg19 : memref<80x128xf32, #tpu.memory_space<vmem>>) offsets(%dma_start3A_42 : memref<80xi32, #tpu.memory_space<vmem>>) semaphore(%arg27 : memref<!tpu.dma_semaphore, #tpu.memory_space<semaphore_mem>>)
    %scan3A = arith.constant 0 : i32
    %scan3A_46 = arith.constant 40 : i32
    %scan3A_47 = arith.addi %scan3A, %scan3A_46 : i32
    %scan3A_48 = arith.constant 1 : i32
    scf.for %scan3A_61 = %scan3A to %scan3A_47 step %scan3A_48  : i32 {
      %mul3A_62 = arith.constant 2 : i32
      %mul3A_63 = arith.muli %mul3A_62, %scan3A_61 : i32
      %add3A_64 = arith.constant 0 : i32
      %add3A_65 = arith.addi %mul3A_63, %add3A_64 : i32
      %dma_wait3A_66 = arith.constant 0 : i32
      %dma_wait3A_67 = tpu.memref_slice %arg9[%add3A_65, %dma_wait3A_66] : memref<80x80xi32, #tpu.memory_space<vmem>> -> memref<1x80xi32, #tpu.memory_space<vmem>>
      %dma_wait3A_68 = tpu.memref_squeeze %dma_wait3A_67 : memref<1x80xi32, #tpu.memory_space<vmem>> -> memref<80xi32, #tpu.memory_space<vmem>>
      %dma_wait3A_69 = arith.constant 0 : i32
      %dma_wait3A_70 = arith.constant 0 : i32
      %dma_wait3A_71 = tpu.memref_slice %arg5[%dma_wait3A_69, %dma_wait3A_70] : memref<100000x128xf32, #tpu.memory_space<hbm>> -> memref<100000x128xf32, #tpu.memory_space<hbm>>
      tpu.wait_indirect_dma semaphore(%arg21 : memref<!tpu.dma_semaphore, #tpu.memory_space<semaphore_mem>>) src(%dma_wait3A_71 : memref<100000x128xf32, #tpu.memory_space<hbm>>) dst(%arg13 : memref<80x128xf32, #tpu.memory_space<vmem>>)
      %dma_wait3A_72 = arith.constant 0 : i32
      %dma_wait3A_73 = tpu.memref_slice %arg10[%add3A_65, %dma_wait3A_72] : memref<80x80xi32, #tpu.memory_space<vmem>> -> memref<1x80xi32, #tpu.memory_space<vmem>>
      %dma_wait3A_74 = tpu.memref_squeeze %dma_wait3A_73 : memref<1x80xi32, #tpu.memory_space<vmem>> -> memref<80xi32, #tpu.memory_space<vmem>>
      %dma_wait3A_75 = arith.constant 0 : i32
      %dma_wait3A_76 = arith.constant 0 : i32
      %dma_wait3A_77 = tpu.memref_slice %arg6[%dma_wait3A_75, %dma_wait3A_76] : memref<100000x128xf32, #tpu.memory_space<hbm>> -> memref<100000x128xf32, #tpu.memory_space<hbm>>
      tpu.wait_indirect_dma semaphore(%arg22 : memref<!tpu.dma_semaphore, #tpu.memory_space<semaphore_mem>>) src(%dma_wait3A_77 : memref<100000x128xf32, #tpu.memory_space<hbm>>) dst(%arg14 : memref<80x128xf32, #tpu.memory_space<vmem>>)
      %dma_wait3A_78 = arith.constant 0 : i32
      %dma_wait3A_79 = tpu.memref_slice %arg11[%add3A_65, %dma_wait3A_78] : memref<80x80xi32, #tpu.memory_space<vmem>> -> memref<1x80xi32, #tpu.memory_space<vmem>>
      %dma_wait3A_80 = tpu.memref_squeeze %dma_wait3A_79 : memref<1x80xi32, #tpu.memory_space<vmem>> -> memref<80xi32, #tpu.memory_space<vmem>>
      %dma_wait3A_81 = arith.constant 0 : i32
      %dma_wait3A_82 = arith.constant 0 : i32
      %dma_wait3A_83 = tpu.memref_slice %arg12[%dma_wait3A_81, %dma_wait3A_82] : memref<514x128xf32, #tpu.memory_space<vmem_shared>> -> memref<514x128xf32, #tpu.memory_space<vmem_shared>>
      tpu.wait_indirect_dma semaphore(%arg23 : memref<!tpu.dma_semaphore, #tpu.memory_space<semaphore_mem>>) src(%dma_wait3A_83 : memref<514x128xf32, #tpu.memory_space<vmem_shared>>) dst(%arg15 : memref<80x128xf32, #tpu.memory_space<vmem>>)
      %gt3A = arith.constant 0 : i32
      %gt3A_84 = arith.cmpi sgt, %scan3A_61, %gt3A : i32
      %convert_element_type3A_85 = arith.extui %gt3A_84 : i1 to i32
      %cond3A_86 = arith.constant 0 : i32
      %cond3A_87 = arith.cmpi ne, %convert_element_type3A_85, %cond3A_86 : i32
      scf.if %cond3A_87 {
        %sub3A = arith.constant 2 : i32
        %sub3A_148 = arith.subi %add3A_65, %sub3A : i32
        %mul3A_149 = arith.constant 80 : i32
        %mul3A_150 = arith.muli %sub3A_148, %mul3A_149 : i32
        %add3A_151 = arith.addi %mul3A_2, %mul3A_150 : i32
        %dma_wait3A_152 = arith.constant 0 : i32
        %dma_wait3A_153 = tpu.memref_slice %arg8[%add3A_151, %dma_wait3A_152] : memref<204800x128xf32, #tpu.memory_space<hbm>> -> memref<80x128xf32, #tpu.memory_space<hbm>>
        %dma_wait3A_154 = arith.constant 0 : i32
        %dma_wait3A_155 = tpu.memref_slice %arg8[%add3A_151, %dma_wait3A_154] : memref<204800x128xf32, #tpu.memory_space<hbm>> -> memref<80x128xf32, #tpu.memory_space<hbm>>
        tpu.wait_dma2 semaphore(%arg24 : memref<!tpu.dma_semaphore, #tpu.memory_space<semaphore_mem>>) src(%arg16 : memref<80x128xf32, #tpu.memory_space<vmem>>) dst(%dma_wait3A_155 : memref<80x128xf32, #tpu.memory_space<hbm>>)
      } else {
      }
      %scan3A_88 = arith.constant 0 : i32
      %scan3A_89 = arith.constant 80 : i32
      %scan3A_90 = arith.addi %scan3A_88, %scan3A_89 : i32
      %scan3A_91 = arith.constant 1 : i32
      scf.for %scan3A_148 = %scan3A_88 to %scan3A_90 step %scan3A_91  : i32 {
        %get3A = arith.index_cast %scan3A_148 : i32 to index
        %get3A_149 = arith.constant 0 : index
        %get3A_150 = tpu.vector_load %arg13[%get3A, %get3A_149] {strides = array<i32>} : memref<80x128xf32, #tpu.memory_space<vmem>>, vector<1x16xf32>,
        %get3A_151 = vector.shape_cast %get3A_150 : vector<1x16xf32> to vector<16xf32>
        %get3A_152 = arith.index_cast %scan3A_148 : i32 to index
        %get3A_153 = arith.constant 0 : index
        %get3A_154 = tpu.vector_load %arg14[%get3A_152, %get3A_153] {strides = array<i32>} : memref<80x128xf32, #tpu.memory_space<vmem>>, vector<1x16xf32>,
        %get3A_155 = vector.shape_cast %get3A_154 : vector<1x16xf32> to vector<16xf32>
        %add3A_156 = arith.addf %get3A_151, %get3A_155 : vector<16xf32>
        %get3A_157 = arith.index_cast %scan3A_148 : i32 to index
        %get3A_158 = arith.constant 0 : index
        %get3A_159 = tpu.vector_load %arg15[%get3A_157, %get3A_158] {strides = array<i32>} : memref<80x128xf32, #tpu.memory_space<vmem>>, vector<1x16xf32>,
        %get3A_160 = vector.shape_cast %get3A_159 : vector<1x16xf32> to vector<16xf32>
        %add3A_161 = arith.addf %add3A_156, %get3A_160 : vector<16xf32>
        %swap3A = arith.index_cast %scan3A_148 : i32 to index
        %swap3A_162 = arith.constant 0 : index
        %swap3A_163 = tpu.vector_load %arg16[%swap3A, %swap3A_162] {strides = array<i32>} : memref<80x128xf32, #tpu.memory_space<vmem>>, vector<1x16xf32>,
        %swap3A_164 = vector.shape_cast %swap3A_163 : vector<1x16xf32> to vector<16xf32>
        %swap3A_165 = vector.shape_cast %add3A_161 : vector<16xf32> to vector<1x16xf32>
        tpu.vector_store %arg16[%swap3A, %swap3A_162], %swap3A_165 {strides = array<i32>} : memref<80x128xf32, #tpu.memory_space<vmem>>, vector<1x16xf32>,
        %get3A_166 = arith.index_cast %scan3A_148 : i32 to index
        %get3A_167 = arith.constant 16 : index
        %get3A_168 = tpu.vector_load %arg13[%get3A_166, %get3A_167] {strides = array<i32>} : memref<80x128xf32, #tpu.memory_space<vmem>>, vector<1x16xf32>,
        %get3A_169 = vector.shape_cast %get3A_168 : vector<1x16xf32> to vector<16xf32>
        %get3A_170 = arith.index_cast %scan3A_148 : i32 to index
        %get3A_171 = arith.constant 16 : index
        %get3A_172 = tpu.vector_load %arg14[%get3A_170, %get3A_171] {strides = array<i32>} : memref<80x128xf32, #tpu.memory_space<vmem>>, vector<1x16xf32>,
        %get3A_173 = vector.shape_cast %get3A_172 : vector<1x16xf32> to vector<16xf32>
        %add3A_174 = arith.addf %get3A_169, %get3A_173 : vector<16xf32>
        %get3A_175 = arith.index_cast %scan3A_148 : i32 to index
        %get3A_176 = arith.constant 16 : index
        %get3A_177 = tpu.vector_load %arg15[%get3A_175, %get3A_176] {strides = array<i32>} : memref<80x128xf32, #tpu.memory_space<vmem>>, vector<1x16xf32>,
        %get3A_178 = vector.shape_cast %get3A_177 : vector<1x16xf32> to vector<16xf32>
        %add3A_179 = arith.addf %add3A_174, %get3A_178 : vector<16xf32>
        %swap3A_180 = arith.index_cast %scan3A_148 : i32 to index
        %swap3A_181 = arith.constant 16 : index
        %swap3A_182 = tpu.vector_load %arg16[%swap3A_180, %swap3A_181] {strides = array<i32>} : memref<80x128xf32, #tpu.memory_space<vmem>>, vector<1x16xf32>,
        %swap3A_183 = vector.shape_cast %swap3A_182 : vector<1x16xf32> to vector<16xf32>
        %swap3A_184 = vector.shape_cast %add3A_179 : vector<16xf32> to vector<1x16xf32>
        tpu.vector_store %arg16[%swap3A_180, %swap3A_181], %swap3A_184 {strides = array<i32>} : memref<80x128xf32, #tpu.memory_space<vmem>>, vector<1x16xf32>,
        %get3A_185 = arith.index_cast %scan3A_148 : i32 to index
        %get3A_186 = arith.constant 32 : index
        %get3A_187 = tpu.vector_load %arg13[%get3A_185, %get3A_186] {strides = array<i32>} : memref<80x128xf32, #tpu.memory_space<vmem>>, vector<1x16xf32>,
        %get3A_188 = vector.shape_cast %get3A_187 : vector<1x16xf32> to vector<16xf32>
        %get3A_189 = arith.index_cast %scan3A_148 : i32 to index
        %get3A_190 = arith.constant 32 : index
        %get3A_191 = tpu.vector_load %arg14[%get3A_189, %get3A_190] {strides = array<i32>} : memref<80x128xf32, #tpu.memory_space<vmem>>, vector<1x16xf32>,
        %get3A_192 = vector.shape_cast %get3A_191 : vector<1x16xf32> to vector<16xf32>
        %add3A_193 = arith.addf %get3A_188, %get3A_192 : vector<16xf32>
        %get3A_194 = arith.index_cast %scan3A_148 : i32 to index
        %get3A_195 = arith.constant 32 : index
        %get3A_196 = tpu.vector_load %arg15[%get3A_194, %get3A_195] {strides = array<i32>} : memref<80x128xf32, #tpu.memory_space<vmem>>, vector<1x16xf32>,
        %get3A_197 = vector.shape_cast %get3A_196 : vector<1x16xf32> to vector<16xf32>
        %add3A_198 = arith.addf %add3A_193, %get3A_197 : vector<16xf32>
        %swap3A_199 = arith.index_cast %scan3A_148 : i32 to index
        %swap3A_200 = arith.constant 32 : index
        %swap3A_201 = tpu.vector_load %arg16[%swap3A_199, %swap3A_200] {strides = array<i32>} : memref<80x128xf32, #tpu.memory_space<vmem>>, vector<1x16xf32>,
        %swap3A_202 = vector.shape_cast %swap3A_201 : vector<1x16xf32> to vector<16xf32>
        %swap3A_203 = vector.shape_cast %add3A_198 : vector<16xf32> to vector<1x16xf32>
        tpu.vector_store %arg16[%swap3A_199, %swap3A_200], %swap3A_203 {strides = array<i32>} : memref<80x128xf32, #tpu.memory_space<vmem>>, vector<1x16xf32>,
        %get3A_204 = arith.index_cast %scan3A_148 : i32 to index
        %get3A_205 = arith.constant 48 : index
        %get3A_206 = tpu.vector_load %arg13[%get3A_204, %get3A_205] {strides = array<i32>} : memref<80x128xf32, #tpu.memory_space<vmem>>, vector<1x16xf32>,
        %get3A_207 = vector.shape_cast %get3A_206 : vector<1x16xf32> to vector<16xf32>
        %get3A_208 = arith.index_cast %scan3A_148 : i32 to index
        %get3A_209 = arith.constant 48 : index
        %get3A_210 = tpu.vector_load %arg14[%get3A_208, %get3A_209] {strides = array<i32>} : memref<80x128xf32, #tpu.memory_space<vmem>>, vector<1x16xf32>,
        %get3A_211 = vector.shape_cast %get3A_210 : vector<1x16xf32> to vector<16xf32>
        %add3A_212 = arith.addf %get3A_207, %get3A_211 : vector<16xf32>
        %get3A_213 = arith.index_cast %scan3A_148 : i32 to index
        %get3A_214 = arith.constant 48 : index
        %get3A_215 = tpu.vector_load %arg15[%get3A_213, %get3A_214] {strides = array<i32>} : memref<80x128xf32, #tpu.memory_space<vmem>>, vector<1x16xf32>,
        %get3A_216 = vector.shape_cast %get3A_215 : vector<1x16xf32> to vector<16xf32>
        %add3A_217 = arith.addf %add3A_212, %get3A_216 : vector<16xf32>
        %swap3A_218 = arith.index_cast %scan3A_148 : i32 to index
        %swap3A_219 = arith.constant 48 : index
        %swap3A_220 = tpu.vector_load %arg16[%swap3A_218, %swap3A_219] {strides = array<i32>} : memref<80x128xf32, #tpu.memory_space<vmem>>, vector<1x16xf32>,
        %swap3A_221 = vector.shape_cast %swap3A_220 : vector<1x16xf32> to vector<16xf32>
        %swap3A_222 = vector.shape_cast %add3A_217 : vector<16xf32> to vector<1x16xf32>
        tpu.vector_store %arg16[%swap3A_218, %swap3A_219], %swap3A_222 {strides = array<i32>} : memref<80x128xf32, #tpu.memory_space<vmem>>, vector<1x16xf32>,
        %get3A_223 = arith.index_cast %scan3A_148 : i32 to index
        %get3A_224 = arith.constant 64 : index
        %get3A_225 = tpu.vector_load %arg13[%get3A_223, %get3A_224] {strides = array<i32>} : memref<80x128xf32, #tpu.memory_space<vmem>>, vector<1x16xf32>,
        %get3A_226 = vector.shape_cast %get3A_225 : vector<1x16xf32> to vector<16xf32>
        %get3A_227 = arith.index_cast %scan3A_148 : i32 to index
        %get3A_228 = arith.constant 64 : index
        %get3A_229 = tpu.vector_load %arg14[%get3A_227, %get3A_228] {strides = array<i32>} : memref<80x128xf32, #tpu.memory_space<vmem>>, vector<1x16xf32>,
        %get3A_230 = vector.shape_cast %get3A_229 : vector<1x16xf32> to vector<16xf32>
        %add3A_231 = arith.addf %get3A_226, %get3A_230 : vector<16xf32>
        %get3A_232 = arith.index_cast %scan3A_148 : i32 to index
        %get3A_233 = arith.constant 64 : index
        %get3A_234 = tpu.vector_load %arg15[%get3A_232, %get3A_233] {strides = array<i32>} : memref<80x128xf32, #tpu.memory_space<vmem>>, vector<1x16xf32>,
        %get3A_235 = vector.shape_cast %get3A_234 : vector<1x16xf32> to vector<16xf32>
        %add3A_236 = arith.addf %add3A_231, %get3A_235 : vector<16xf32>
        %swap3A_237 = arith.index_cast %scan3A_148 : i32 to index
        %swap3A_238 = arith.constant 64 : index
        %swap3A_239 = tpu.vector_load %arg16[%swap3A_237, %swap3A_238] {strides = array<i32>} : memref<80x128xf32, #tpu.memory_space<vmem>>, vector<1x16xf32>,
        %swap3A_240 = vector.shape_cast %swap3A_239 : vector<1x16xf32> to vector<16xf32>
        %swap3A_241 = vector.shape_cast %add3A_236 : vector<16xf32> to vector<1x16xf32>
        tpu.vector_store %arg16[%swap3A_237, %swap3A_238], %swap3A_241 {strides = array<i32>} : memref<80x128xf32, #tpu.memory_space<vmem>>, vector<1x16xf32>,
        %get3A_242 = arith.index_cast %scan3A_148 : i32 to index
        %get3A_243 = arith.constant 80 : index
        %get3A_244 = tpu.vector_load %arg13[%get3A_242, %get3A_243] {strides = array<i32>} : memref<80x128xf32, #tpu.memory_space<vmem>>, vector<1x16xf32>,
        %get3A_245 = vector.shape_cast %get3A_244 : vector<1x16xf32> to vector<16xf32>
        %get3A_246 = arith.index_cast %scan3A_148 : i32 to index
        %get3A_247 = arith.constant 80 : index
        %get3A_248 = tpu.vector_load %arg14[%get3A_246, %get3A_247] {strides = array<i32>} : memref<80x128xf32, #tpu.memory_space<vmem>>, vector<1x16xf32>,
        %get3A_249 = vector.shape_cast %get3A_248 : vector<1x16xf32> to vector<16xf32>
        %add3A_250 = arith.addf %get3A_245, %get3A_249 : vector<16xf32>
        %get3A_251 = arith.index_cast %scan3A_148 : i32 to index
        %get3A_252 = arith.constant 80 : index
        %get3A_253 = tpu.vector_load %arg15[%get3A_251, %get3A_252] {strides = array<i32>} : memref<80x128xf32, #tpu.memory_space<vmem>>, vector<1x16xf32>,
        %get3A_254 = vector.shape_cast %get3A_253 : vector<1x16xf32> to vector<16xf32>
        %add3A_255 = arith.addf %add3A_250, %get3A_254 : vector<16xf32>
        %swap3A_256 = arith.index_cast %scan3A_148 : i32 to index
        %swap3A_257 = arith.constant 80 : index
        %swap3A_258 = tpu.vector_load %arg16[%swap3A_256, %swap3A_257] {strides = array<i32>} : memref<80x128xf32, #tpu.memory_space<vmem>>, vector<1x16xf32>,
        %swap3A_259 = vector.shape_cast %swap3A_258 : vector<1x16xf32> to vector<16xf32>
        %swap3A_260 = vector.shape_cast %add3A_255 : vector<16xf32> to vector<1x16xf32>
        tpu.vector_store %arg16[%swap3A_256, %swap3A_257], %swap3A_260 {strides = array<i32>} : memref<80x128xf32, #tpu.memory_space<vmem>>, vector<1x16xf32>,
        %get3A_261 = arith.index_cast %scan3A_148 : i32 to index
        %get3A_262 = arith.constant 96 : index
        %get3A_263 = tpu.vector_load %arg13[%get3A_261, %get3A_262] {strides = array<i32>} : memref<80x128xf32, #tpu.memory_space<vmem>>, vector<1x16xf32>,
        %get3A_264 = vector.shape_cast %get3A_263 : vector<1x16xf32> to vector<16xf32>
        %get3A_265 = arith.index_cast %scan3A_148 : i32 to index
        %get3A_266 = arith.constant 96 : index
        %get3A_267 = tpu.vector_load %arg14[%get3A_265, %get3A_266] {strides = array<i32>} : memref<80x128xf32, #tpu.memory_space<vmem>>, vector<1x16xf32>,
        %get3A_268 = vector.shape_cast %get3A_267 : vector<1x16xf32> to vector<16xf32>
        %add3A_269 = arith.addf %get3A_264, %get3A_268 : vector<16xf32>
        %get3A_270 = arith.index_cast %scan3A_148 : i32 to index
        %get3A_271 = arith.constant 96 : index
        %get3A_272 = tpu.vector_load %arg15[%get3A_270, %get3A_271] {strides = array<i32>} : memref<80x128xf32, #tpu.memory_space<vmem>>, vector<1x16xf32>,
        %get3A_273 = vector.shape_cast %get3A_272 : vector<1x16xf32> to vector<16xf32>
        %add3A_274 = arith.addf %add3A_269, %get3A_273 : vector<16xf32>
        %swap3A_275 = arith.index_cast %scan3A_148 : i32 to index
        %swap3A_276 = arith.constant 96 : index
        %swap3A_277 = tpu.vector_load %arg16[%swap3A_275, %swap3A_276] {strides = array<i32>} : memref<80x128xf32, #tpu.memory_space<vmem>>, vector<1x16xf32>,
        %swap3A_278 = vector.shape_cast %swap3A_277 : vector<1x16xf32> to vector<16xf32>
        %swap3A_279 = vector.shape_cast %add3A_274 : vector<16xf32> to vector<1x16xf32>
        tpu.vector_store %arg16[%swap3A_275, %swap3A_276], %swap3A_279 {strides = array<i32>} : memref<80x128xf32, #tpu.memory_space<vmem>>, vector<1x16xf32>,
        %get3A_280 = arith.index_cast %scan3A_148 : i32 to index
        %get3A_281 = arith.constant 112 : index
        %get3A_282 = tpu.vector_load %arg13[%get3A_280, %get3A_281] {strides = array<i32>} : memref<80x128xf32, #tpu.memory_space<vmem>>, vector<1x16xf32>,
        %get3A_283 = vector.shape_cast %get3A_282 : vector<1x16xf32> to vector<16xf32>
        %get3A_284 = arith.index_cast %scan3A_148 : i32 to index
        %get3A_285 = arith.constant 112 : index
        %get3A_286 = tpu.vector_load %arg14[%get3A_284, %get3A_285] {strides = array<i32>} : memref<80x128xf32, #tpu.memory_space<vmem>>, vector<1x16xf32>,
        %get3A_287 = vector.shape_cast %get3A_286 : vector<1x16xf32> to vector<16xf32>
        %add3A_288 = arith.addf %get3A_283, %get3A_287 : vector<16xf32>
        %get3A_289 = arith.index_cast %scan3A_148 : i32 to index
        %get3A_290 = arith.constant 112 : index
        %get3A_291 = tpu.vector_load %arg15[%get3A_289, %get3A_290] {strides = array<i32>} : memref<80x128xf32, #tpu.memory_space<vmem>>, vector<1x16xf32>,
        %get3A_292 = vector.shape_cast %get3A_291 : vector<1x16xf32> to vector<16xf32>
        %add3A_293 = arith.addf %add3A_288, %get3A_292 : vector<16xf32>
        %swap3A_294 = arith.index_cast %scan3A_148 : i32 to index
        %swap3A_295 = arith.constant 112 : index
        %swap3A_296 = tpu.vector_load %arg16[%swap3A_294, %swap3A_295] {strides = array<i32>} : memref<80x128xf32, #tpu.memory_space<vmem>>, vector<1x16xf32>,
        %swap3A_297 = vector.shape_cast %swap3A_296 : vector<1x16xf32> to vector<16xf32>
        %swap3A_298 = vector.shape_cast %add3A_293 : vector<16xf32> to vector<1x16xf32>
        tpu.vector_store %arg16[%swap3A_294, %swap3A_295], %swap3A_298 {strides = array<i32>} : memref<80x128xf32, #tpu.memory_space<vmem>>, vector<1x16xf32>,
      }
      %scan3A_92 = arith.constant 80 : i32
      %mul3A_93 = arith.constant 80 : i32
      %mul3A_94 = arith.muli %add3A_65, %mul3A_93 : i32
      %add3A_95 = arith.addi %mul3A_2, %mul3A_94 : i32
      %dma_start3A_96 = arith.constant 0 : i32
      %dma_start3A_97 = tpu.memref_slice %arg8[%add3A_95, %dma_start3A_96] : memref<204800x128xf32, #tpu.memory_space<hbm>> -> memref<80x128xf32, #tpu.memory_space<hbm>>
      %dma_start3A_98 = arith.constant 0 : i32
      %dma_start3A_99 = tpu.memref_slice %arg8[%add3A_95, %dma_start3A_98] : memref<204800x128xf32, #tpu.memory_space<hbm>> -> memref<80x128xf32, #tpu.memory_space<hbm>>
      tpu.enqueue_dma source(%arg16 : memref<80x128xf32, #tpu.memory_space<vmem>>) target(%dma_start3A_99 : memref<80x128xf32, #tpu.memory_space<hbm>>) target_semaphore(%arg24 : memref<!tpu.dma_semaphore, #tpu.memory_space<semaphore_mem>>)
      %lt3A = arith.constant 39 : i32
      %lt3A_100 = arith.cmpi slt, %scan3A_61, %lt3A : i32
      %convert_element_type3A_101 = arith.extui %lt3A_100 : i1 to i32
      %cond3A_102 = arith.constant 0 : i32
      %cond3A_103 = arith.cmpi ne, %convert_element_type3A_101, %cond3A_102 : i32
      scf.if %cond3A_103 {
        %add3A_148 = arith.constant 2 : i32
        %add3A_149 = arith.addi %add3A_65, %add3A_148 : i32
        %dma_start3A_150 = arith.constant 0 : i32
        %dma_start3A_151 = tpu.memref_slice %arg9[%add3A_149, %dma_start3A_150] : memref<80x80xi32, #tpu.memory_space<vmem>> -> memref<1x80xi32, #tpu.memory_space<vmem>>
        %dma_start3A_152 = tpu.memref_squeeze %dma_start3A_151 : memref<1x80xi32, #tpu.memory_space<vmem>> -> memref<80xi32, #tpu.memory_space<vmem>>
        %dma_start3A_153 = arith.constant 0 : i32
        %dma_start3A_154 = arith.constant 0 : i32
        %dma_start3A_155 = tpu.memref_slice %arg5[%dma_start3A_153, %dma_start3A_154] : memref<100000x128xf32, #tpu.memory_space<hbm>> -> memref<100000x128xf32, #tpu.memory_space<hbm>>
        tpu.enqueue_indirect_dma source(%dma_start3A_155 : memref<100000x128xf32, #tpu.memory_space<hbm>>) target(%arg13 : memref<80x128xf32, #tpu.memory_space<vmem>>) offsets(%dma_start3A_152 : memref<80xi32, #tpu.memory_space<vmem>>) semaphore(%arg21 : memref<!tpu.dma_semaphore, #tpu.memory_space<semaphore_mem>>)
        %dma_start3A_156 = arith.constant 0 : i32
        %dma_start3A_157 = tpu.memref_slice %arg10[%add3A_149, %dma_start3A_156] : memref<80x80xi32, #tpu.memory_space<vmem>> -> memref<1x80xi32, #tpu.memory_space<vmem>>
        %dma_start3A_158 = tpu.memref_squeeze %dma_start3A_157 : memref<1x80xi32, #tpu.memory_space<vmem>> -> memref<80xi32, #tpu.memory_space<vmem>>
        %dma_start3A_159 = arith.constant 0 : i32
        %dma_start3A_160 = arith.constant 0 : i32
        %dma_start3A_161 = tpu.memref_slice %arg6[%dma_start3A_159, %dma_start3A_160] : memref<100000x128xf32, #tpu.memory_space<hbm>> -> memref<100000x128xf32, #tpu.memory_space<hbm>>
        tpu.enqueue_indirect_dma source(%dma_start3A_161 : memref<100000x128xf32, #tpu.memory_space<hbm>>) target(%arg14 : memref<80x128xf32, #tpu.memory_space<vmem>>) offsets(%dma_start3A_158 : memref<80xi32, #tpu.memory_space<vmem>>) semaphore(%arg22 : memref<!tpu.dma_semaphore, #tpu.memory_space<semaphore_mem>>)
        %dma_start3A_162 = arith.constant 0 : i32
        %dma_start3A_163 = tpu.memref_slice %arg11[%add3A_149, %dma_start3A_162] : memref<80x80xi32, #tpu.memory_space<vmem>> -> memref<1x80xi32, #tpu.memory_space<vmem>>
        %dma_start3A_164 = tpu.memref_squeeze %dma_start3A_163 : memref<1x80xi32, #tpu.memory_space<vmem>> -> memref<80xi32, #tpu.memory_space<vmem>>
        %dma_start3A_165 = arith.constant 0 : i32
        %dma_start3A_166 = arith.constant 0 : i32
        %dma_start3A_167 = tpu.memref_slice %arg12[%dma_start3A_165, %dma_start3A_166] : memref<514x128xf32, #tpu.memory_space<vmem_shared>> -> memref<514x128xf32, #tpu.memory_space<vmem_shared>>
        tpu.enqueue_indirect_dma source(%dma_start3A_167 : memref<514x128xf32, #tpu.memory_space<vmem_shared>>) target(%arg15 : memref<80x128xf32, #tpu.memory_space<vmem>>) offsets(%dma_start3A_164 : memref<80xi32, #tpu.memory_space<vmem>>) semaphore(%arg23 : memref<!tpu.dma_semaphore, #tpu.memory_space<semaphore_mem>>)
      } else {
      }
      %mul3A_104 = arith.constant 2 : i32
      %mul3A_105 = arith.muli %mul3A_104, %scan3A_61 : i32
      %add3A_106 = arith.constant 1 : i32
      %add3A_107 = arith.addi %mul3A_105, %add3A_106 : i32
      %dma_wait3A_108 = arith.constant 0 : i32
      %dma_wait3A_109 = tpu.memref_slice %arg9[%add3A_107, %dma_wait3A_108] : memref<80x80xi32, #tpu.memory_space<vmem>> -> memref<1x80xi32, #tpu.memory_space<vmem>>
      %dma_wait3A_110 = tpu.memref_squeeze %dma_wait3A_109 : memref<1x80xi32, #tpu.memory_space<vmem>> -> memref<80xi32, #tpu.memory_space<vmem>>
      %dma_wait3A_111 = arith.constant 0 : i32
      %dma_wait3A_112 = arith.constant 0 : i32
      %dma_wait3A_113 = tpu.memref_slice %arg5[%dma_wait3A_111, %dma_wait3A_112] : memref<100000x128xf32, #tpu.memory_space<hbm>> -> memref<100000x128xf32, #tpu.memory_space<hbm>>
      tpu.wait_indirect_dma semaphore(%arg25 : memref<!tpu.dma_semaphore, #tpu.memory_space<semaphore_mem>>) src(%dma_wait3A_113 : memref<100000x128xf32, #tpu.memory_space<hbm>>) dst(%arg17 : memref<80x128xf32, #tpu.memory_space<vmem>>)
      %dma_wait3A_114 = arith.constant 0 : i32
      %dma_wait3A_115 = tpu.memref_slice %arg10[%add3A_107, %dma_wait3A_114] : memref<80x80xi32, #tpu.memory_space<vmem>> -> memref<1x80xi32, #tpu.memory_space<vmem>>
      %dma_wait3A_116 = tpu.memref_squeeze %dma_wait3A_115 : memref<1x80xi32, #tpu.memory_space<vmem>> -> memref<80xi32, #tpu.memory_space<vmem>>
      %dma_wait3A_117 = arith.constant 0 : i32
      %dma_wait3A_118 = arith.constant 0 : i32
      %dma_wait3A_119 = tpu.memref_slice %arg6[%dma_wait3A_117, %dma_wait3A_118] : memref<100000x128xf32, #tpu.memory_space<hbm>> -> memref<100000x128xf32, #tpu.memory_space<hbm>>
      tpu.wait_indirect_dma semaphore(%arg26 : memref<!tpu.dma_semaphore, #tpu.memory_space<semaphore_mem>>) src(%dma_wait3A_119 : memref<100000x128xf32, #tpu.memory_space<hbm>>) dst(%arg18 : memref<80x128xf32, #tpu.memory_space<vmem>>)
      %dma_wait3A_120 = arith.constant 0 : i32
      %dma_wait3A_121 = tpu.memref_slice %arg11[%add3A_107, %dma_wait3A_120] : memref<80x80xi32, #tpu.memory_space<vmem>> -> memref<1x80xi32, #tpu.memory_space<vmem>>
      %dma_wait3A_122 = tpu.memref_squeeze %dma_wait3A_121 : memref<1x80xi32, #tpu.memory_space<vmem>> -> memref<80xi32, #tpu.memory_space<vmem>>
      %dma_wait3A_123 = arith.constant 0 : i32
      %dma_wait3A_124 = arith.constant 0 : i32
      %dma_wait3A_125 = tpu.memref_slice %arg12[%dma_wait3A_123, %dma_wait3A_124] : memref<514x128xf32, #tpu.memory_space<vmem_shared>> -> memref<514x128xf32, #tpu.memory_space<vmem_shared>>
      tpu.wait_indirect_dma semaphore(%arg27 : memref<!tpu.dma_semaphore, #tpu.memory_space<semaphore_mem>>) src(%dma_wait3A_125 : memref<514x128xf32, #tpu.memory_space<vmem_shared>>) dst(%arg19 : memref<80x128xf32, #tpu.memory_space<vmem>>)
      %gt3A_126 = arith.constant 0 : i32
      %gt3A_127 = arith.cmpi sgt, %scan3A_61, %gt3A_126 : i32
      %convert_element_type3A_128 = arith.extui %gt3A_127 : i1 to i32
      %cond3A_129 = arith.constant 0 : i32
      %cond3A_130 = arith.cmpi ne, %convert_element_type3A_128, %cond3A_129 : i32
      scf.if %cond3A_130 {
        %sub3A = arith.constant 2 : i32
        %sub3A_148 = arith.subi %add3A_107, %sub3A : i32
        %mul3A_149 = arith.constant 80 : i32
        %mul3A_150 = arith.muli %sub3A_148, %mul3A_149 : i32
        %add3A_151 = arith.addi %mul3A_2, %mul3A_150 : i32
        %dma_wait3A_152 = arith.constant 0 : i32
        %dma_wait3A_153 = tpu.memref_slice %arg8[%add3A_151, %dma_wait3A_152] : memref<204800x128xf32, #tpu.memory_space<hbm>> -> memref<80x128xf32, #tpu.memory_space<hbm>>
        %dma_wait3A_154 = arith.constant 0 : i32
        %dma_wait3A_155 = tpu.memref_slice %arg8[%add3A_151, %dma_wait3A_154] : memref<204800x128xf32, #tpu.memory_space<hbm>> -> memref<80x128xf32, #tpu.memory_space<hbm>>
        tpu.wait_dma2 semaphore(%arg28 : memref<!tpu.dma_semaphore, #tpu.memory_space<semaphore_mem>>) src(%arg20 : memref<80x128xf32, #tpu.memory_space<vmem>>) dst(%dma_wait3A_155 : memref<80x128xf32, #tpu.memory_space<hbm>>)
      } else {
      }
      %scan3A_131 = arith.constant 0 : i32
      %scan3A_132 = arith.constant 80 : i32
      %scan3A_133 = arith.addi %scan3A_131, %scan3A_132 : i32
      %scan3A_134 = arith.constant 1 : i32
      scf.for %scan3A_148 = %scan3A_131 to %scan3A_133 step %scan3A_134  : i32 {
        %get3A = arith.index_cast %scan3A_148 : i32 to index
        %get3A_149 = arith.constant 0 : index
        %get3A_150 = tpu.vector_load %arg17[%get3A, %get3A_149] {strides = array<i32>} : memref<80x128xf32, #tpu.memory_space<vmem>>, vector<1x16xf32>,
        %get3A_151 = vector.shape_cast %get3A_150 : vector<1x16xf32> to vector<16xf32>
        %get3A_152 = arith.index_cast %scan3A_148 : i32 to index
        %get3A_153 = arith.constant 0 : index
        %get3A_154 = tpu.vector_load %arg18[%get3A_152, %get3A_153] {strides = array<i32>} : memref<80x128xf32, #tpu.memory_space<vmem>>, vector<1x16xf32>,
        %get3A_155 = vector.shape_cast %get3A_154 : vector<1x16xf32> to vector<16xf32>
        %add3A_156 = arith.addf %get3A_151, %get3A_155 : vector<16xf32>
        %get3A_157 = arith.index_cast %scan3A_148 : i32 to index
        %get3A_158 = arith.constant 0 : index
        %get3A_159 = tpu.vector_load %arg19[%get3A_157, %get3A_158] {strides = array<i32>} : memref<80x128xf32, #tpu.memory_space<vmem>>, vector<1x16xf32>,
        %get3A_160 = vector.shape_cast %get3A_159 : vector<1x16xf32> to vector<16xf32>
        %add3A_161 = arith.addf %add3A_156, %get3A_160 : vector<16xf32>
        %swap3A = arith.index_cast %scan3A_148 : i32 to index
        %swap3A_162 = arith.constant 0 : index
        %swap3A_163 = tpu.vector_load %arg20[%swap3A, %swap3A_162] {strides = array<i32>} : memref<80x128xf32, #tpu.memory_space<vmem>>, vector<1x16xf32>,
        %swap3A_164 = vector.shape_cast %swap3A_163 : vector<1x16xf32> to vector<16xf32>
        %swap3A_165 = vector.shape_cast %add3A_161 : vector<16xf32> to vector<1x16xf32>
        tpu.vector_store %arg20[%swap3A, %swap3A_162], %swap3A_165 {strides = array<i32>} : memref<80x128xf32, #tpu.memory_space<vmem>>, vector<1x16xf32>,
        %get3A_166 = arith.index_cast %scan3A_148 : i32 to index
        %get3A_167 = arith.constant 16 : index
        %get3A_168 = tpu.vector_load %arg17[%get3A_166, %get3A_167] {strides = array<i32>} : memref<80x128xf32, #tpu.memory_space<vmem>>, vector<1x16xf32>,
        %get3A_169 = vector.shape_cast %get3A_168 : vector<1x16xf32> to vector<16xf32>
        %get3A_170 = arith.index_cast %scan3A_148 : i32 to index
        %get3A_171 = arith.constant 16 : index
        %get3A_172 = tpu.vector_load %arg18[%get3A_170, %get3A_171] {strides = array<i32>} : memref<80x128xf32, #tpu.memory_space<vmem>>, vector<1x16xf32>,
        %get3A_173 = vector.shape_cast %get3A_172 : vector<1x16xf32> to vector<16xf32>
        %add3A_174 = arith.addf %get3A_169, %get3A_173 : vector<16xf32>
        %get3A_175 = arith.index_cast %scan3A_148 : i32 to index
        %get3A_176 = arith.constant 16 : index
        %get3A_177 = tpu.vector_load %arg19[%get3A_175, %get3A_176] {strides = array<i32>} : memref<80x128xf32, #tpu.memory_space<vmem>>, vector<1x16xf32>,
        %get3A_178 = vector.shape_cast %get3A_177 : vector<1x16xf32> to vector<16xf32>
        %add3A_179 = arith.addf %add3A_174, %get3A_178 : vector<16xf32>
        %swap3A_180 = arith.index_cast %scan3A_148 : i32 to index
        %swap3A_181 = arith.constant 16 : index
        %swap3A_182 = tpu.vector_load %arg20[%swap3A_180, %swap3A_181] {strides = array<i32>} : memref<80x128xf32, #tpu.memory_space<vmem>>, vector<1x16xf32>,
        %swap3A_183 = vector.shape_cast %swap3A_182 : vector<1x16xf32> to vector<16xf32>
        %swap3A_184 = vector.shape_cast %add3A_179 : vector<16xf32> to vector<1x16xf32>
        tpu.vector_store %arg20[%swap3A_180, %swap3A_181], %swap3A_184 {strides = array<i32>} : memref<80x128xf32, #tpu.memory_space<vmem>>, vector<1x16xf32>,
        %get3A_185 = arith.index_cast %scan3A_148 : i32 to index
        %get3A_186 = arith.constant 32 : index
        %get3A_187 = tpu.vector_load %arg17[%get3A_185, %get3A_186] {strides = array<i32>} : memref<80x128xf32, #tpu.memory_space<vmem>>, vector<1x16xf32>,
        %get3A_188 = vector.shape_cast %get3A_187 : vector<1x16xf32> to vector<16xf32>
        %get3A_189 = arith.index_cast %scan3A_148 : i32 to index
        %get3A_190 = arith.constant 32 : index
        %get3A_191 = tpu.vector_load %arg18[%get3A_189, %get3A_190] {strides = array<i32>} : memref<80x128xf32, #tpu.memory_space<vmem>>, vector<1x16xf32>,
        %get3A_192 = vector.shape_cast %get3A_191 : vector<1x16xf32> to vector<16xf32>
        %add3A_193 = arith.addf %get3A_188, %get3A_192 : vector<16xf32>
        %get3A_194 = arith.index_cast %scan3A_148 : i32 to index
        %get3A_195 = arith.constant 32 : index
        %get3A_196 = tpu.vector_load %arg19[%get3A_194, %get3A_195] {strides = array<i32>} : memref<80x128xf32, #tpu.memory_space<vmem>>, vector<1x16xf32>,
        %get3A_197 = vector.shape_cast %get3A_196 : vector<1x16xf32> to vector<16xf32>
        %add3A_198 = arith.addf %add3A_193, %get3A_197 : vector<16xf32>
        %swap3A_199 = arith.index_cast %scan3A_148 : i32 to index
        %swap3A_200 = arith.constant 32 : index
        %swap3A_201 = tpu.vector_load %arg20[%swap3A_199, %swap3A_200] {strides = array<i32>} : memref<80x128xf32, #tpu.memory_space<vmem>>, vector<1x16xf32>,
        %swap3A_202 = vector.shape_cast %swap3A_201 : vector<1x16xf32> to vector<16xf32>
        %swap3A_203 = vector.shape_cast %add3A_198 : vector<16xf32> to vector<1x16xf32>
        tpu.vector_store %arg20[%swap3A_199, %swap3A_200], %swap3A_203 {strides = array<i32>} : memref<80x128xf32, #tpu.memory_space<vmem>>, vector<1x16xf32>,
        %get3A_204 = arith.index_cast %scan3A_148 : i32 to index
        %get3A_205 = arith.constant 48 : index
        %get3A_206 = tpu.vector_load %arg17[%get3A_204, %get3A_205] {strides = array<i32>} : memref<80x128xf32, #tpu.memory_space<vmem>>, vector<1x16xf32>,
        %get3A_207 = vector.shape_cast %get3A_206 : vector<1x16xf32> to vector<16xf32>
        %get3A_208 = arith.index_cast %scan3A_148 : i32 to index
        %get3A_209 = arith.constant 48 : index
        %get3A_210 = tpu.vector_load %arg18[%get3A_208, %get3A_209] {strides = array<i32>} : memref<80x128xf32, #tpu.memory_space<vmem>>, vector<1x16xf32>,
        %get3A_211 = vector.shape_cast %get3A_210 : vector<1x16xf32> to vector<16xf32>
        %add3A_212 = arith.addf %get3A_207, %get3A_211 : vector<16xf32>
        %get3A_213 = arith.index_cast %scan3A_148 : i32 to index
        %get3A_214 = arith.constant 48 : index
        %get3A_215 = tpu.vector_load %arg19[%get3A_213, %get3A_214] {strides = array<i32>} : memref<80x128xf32, #tpu.memory_space<vmem>>, vector<1x16xf32>,
        %get3A_216 = vector.shape_cast %get3A_215 : vector<1x16xf32> to vector<16xf32>
        %add3A_217 = arith.addf %add3A_212, %get3A_216 : vector<16xf32>
        %swap3A_218 = arith.index_cast %scan3A_148 : i32 to index
        %swap3A_219 = arith.constant 48 : index
        %swap3A_220 = tpu.vector_load %arg20[%swap3A_218, %swap3A_219] {strides = array<i32>} : memref<80x128xf32, #tpu.memory_space<vmem>>, vector<1x16xf32>,
        %swap3A_221 = vector.shape_cast %swap3A_220 : vector<1x16xf32> to vector<16xf32>
        %swap3A_222 = vector.shape_cast %add3A_217 : vector<16xf32> to vector<1x16xf32>
        tpu.vector_store %arg20[%swap3A_218, %swap3A_219], %swap3A_222 {strides = array<i32>} : memref<80x128xf32, #tpu.memory_space<vmem>>, vector<1x16xf32>,
        %get3A_223 = arith.index_cast %scan3A_148 : i32 to index
        %get3A_224 = arith.constant 64 : index
        %get3A_225 = tpu.vector_load %arg17[%get3A_223, %get3A_224] {strides = array<i32>} : memref<80x128xf32, #tpu.memory_space<vmem>>, vector<1x16xf32>,
        %get3A_226 = vector.shape_cast %get3A_225 : vector<1x16xf32> to vector<16xf32>
        %get3A_227 = arith.index_cast %scan3A_148 : i32 to index
        %get3A_228 = arith.constant 64 : index
        %get3A_229 = tpu.vector_load %arg18[%get3A_227, %get3A_228] {strides = array<i32>} : memref<80x128xf32, #tpu.memory_space<vmem>>, vector<1x16xf32>,
        %get3A_230 = vector.shape_cast %get3A_229 : vector<1x16xf32> to vector<16xf32>
        %add3A_231 = arith.addf %get3A_226, %get3A_230 : vector<16xf32>
        %get3A_232 = arith.index_cast %scan3A_148 : i32 to index
        %get3A_233 = arith.constant 64 : index
        %get3A_234 = tpu.vector_load %arg19[%get3A_232, %get3A_233] {strides = array<i32>} : memref<80x128xf32, #tpu.memory_space<vmem>>, vector<1x16xf32>,
        %get3A_235 = vector.shape_cast %get3A_234 : vector<1x16xf32> to vector<16xf32>
        %add3A_236 = arith.addf %add3A_231, %get3A_235 : vector<16xf32>
        %swap3A_237 = arith.index_cast %scan3A_148 : i32 to index
        %swap3A_238 = arith.constant 64 : index
        %swap3A_239 = tpu.vector_load %arg20[%swap3A_237, %swap3A_238] {strides = array<i32>} : memref<80x128xf32, #tpu.memory_space<vmem>>, vector<1x16xf32>,
        %swap3A_240 = vector.shape_cast %swap3A_239 : vector<1x16xf32> to vector<16xf32>
        %swap3A_241 = vector.shape_cast %add3A_236 : vector<16xf32> to vector<1x16xf32>
        tpu.vector_store %arg20[%swap3A_237, %swap3A_238], %swap3A_241 {strides = array<i32>} : memref<80x128xf32, #tpu.memory_space<vmem>>, vector<1x16xf32>,
        %get3A_242 = arith.index_cast %scan3A_148 : i32 to index
        %get3A_243 = arith.constant 80 : index
        %get3A_244 = tpu.vector_load %arg17[%get3A_242, %get3A_243] {strides = array<i32>} : memref<80x128xf32, #tpu.memory_space<vmem>>, vector<1x16xf32>,
        %get3A_245 = vector.shape_cast %get3A_244 : vector<1x16xf32> to vector<16xf32>
        %get3A_246 = arith.index_cast %scan3A_148 : i32 to index
        %get3A_247 = arith.constant 80 : index
        %get3A_248 = tpu.vector_load %arg18[%get3A_246, %get3A_247] {strides = array<i32>} : memref<80x128xf32, #tpu.memory_space<vmem>>, vector<1x16xf32>,
        %get3A_249 = vector.shape_cast %get3A_248 : vector<1x16xf32> to vector<16xf32>
        %add3A_250 = arith.addf %get3A_245, %get3A_249 : vector<16xf32>
        %get3A_251 = arith.index_cast %scan3A_148 : i32 to index
        %get3A_252 = arith.constant 80 : index
        %get3A_253 = tpu.vector_load %arg19[%get3A_251, %get3A_252] {strides = array<i32>} : memref<80x128xf32, #tpu.memory_space<vmem>>, vector<1x16xf32>,
        %get3A_254 = vector.shape_cast %get3A_253 : vector<1x16xf32> to vector<16xf32>
        %add3A_255 = arith.addf %add3A_250, %get3A_254 : vector<16xf32>
        %swap3A_256 = arith.index_cast %scan3A_148 : i32 to index
        %swap3A_257 = arith.constant 80 : index
        %swap3A_258 = tpu.vector_load %arg20[%swap3A_256, %swap3A_257] {strides = array<i32>} : memref<80x128xf32, #tpu.memory_space<vmem>>, vector<1x16xf32>,
        %swap3A_259 = vector.shape_cast %swap3A_258 : vector<1x16xf32> to vector<16xf32>
        %swap3A_260 = vector.shape_cast %add3A_255 : vector<16xf32> to vector<1x16xf32>
        tpu.vector_store %arg20[%swap3A_256, %swap3A_257], %swap3A_260 {strides = array<i32>} : memref<80x128xf32, #tpu.memory_space<vmem>>, vector<1x16xf32>,
        %get3A_261 = arith.index_cast %scan3A_148 : i32 to index
        %get3A_262 = arith.constant 96 : index
        %get3A_263 = tpu.vector_load %arg17[%get3A_261, %get3A_262] {strides = array<i32>} : memref<80x128xf32, #tpu.memory_space<vmem>>, vector<1x16xf32>,
        %get3A_264 = vector.shape_cast %get3A_263 : vector<1x16xf32> to vector<16xf32>
        %get3A_265 = arith.index_cast %scan3A_148 : i32 to index
        %get3A_266 = arith.constant 96 : index
        %get3A_267 = tpu.vector_load %arg18[%get3A_265, %get3A_266] {strides = array<i32>} : memref<80x128xf32, #tpu.memory_space<vmem>>, vector<1x16xf32>,
        %get3A_268 = vector.shape_cast %get3A_267 : vector<1x16xf32> to vector<16xf32>
        %add3A_269 = arith.addf %get3A_264, %get3A_268 : vector<16xf32>
        %get3A_270 = arith.index_cast %scan3A_148 : i32 to index
        %get3A_271 = arith.constant 96 : index
        %get3A_272 = tpu.vector_load %arg19[%get3A_270, %get3A_271] {strides = array<i32>} : memref<80x128xf32, #tpu.memory_space<vmem>>, vector<1x16xf32>,
        %get3A_273 = vector.shape_cast %get3A_272 : vector<1x16xf32> to vector<16xf32>
        %add3A_274 = arith.addf %add3A_269, %get3A_273 : vector<16xf32>
        %swap3A_275 = arith.index_cast %scan3A_148 : i32 to index
        %swap3A_276 = arith.constant 96 : index
        %swap3A_277 = tpu.vector_load %arg20[%swap3A_275, %swap3A_276] {strides = array<i32>} : memref<80x128xf32, #tpu.memory_space<vmem>>, vector<1x16xf32>,
        %swap3A_278 = vector.shape_cast %swap3A_277 : vector<1x16xf32> to vector<16xf32>
        %swap3A_279 = vector.shape_cast %add3A_274 : vector<16xf32> to vector<1x16xf32>
        tpu.vector_store %arg20[%swap3A_275, %swap3A_276], %swap3A_279 {strides = array<i32>} : memref<80x128xf32, #tpu.memory_space<vmem>>, vector<1x16xf32>,
        %get3A_280 = arith.index_cast %scan3A_148 : i32 to index
        %get3A_281 = arith.constant 112 : index
        %get3A_282 = tpu.vector_load %arg17[%get3A_280, %get3A_281] {strides = array<i32>} : memref<80x128xf32, #tpu.memory_space<vmem>>, vector<1x16xf32>,
        %get3A_283 = vector.shape_cast %get3A_282 : vector<1x16xf32> to vector<16xf32>
        %get3A_284 = arith.index_cast %scan3A_148 : i32 to index
        %get3A_285 = arith.constant 112 : index
        %get3A_286 = tpu.vector_load %arg18[%get3A_284, %get3A_285] {strides = array<i32>} : memref<80x128xf32, #tpu.memory_space<vmem>>, vector<1x16xf32>,
        %get3A_287 = vector.shape_cast %get3A_286 : vector<1x16xf32> to vector<16xf32>
        %add3A_288 = arith.addf %get3A_283, %get3A_287 : vector<16xf32>
        %get3A_289 = arith.index_cast %scan3A_148 : i32 to index
        %get3A_290 = arith.constant 112 : index
        %get3A_291 = tpu.vector_load %arg19[%get3A_289, %get3A_290] {strides = array<i32>} : memref<80x128xf32, #tpu.memory_space<vmem>>, vector<1x16xf32>,
        %get3A_292 = vector.shape_cast %get3A_291 : vector<1x16xf32> to vector<16xf32>
        %add3A_293 = arith.addf %add3A_288, %get3A_292 : vector<16xf32>
        %swap3A_294 = arith.index_cast %scan3A_148 : i32 to index
        %swap3A_295 = arith.constant 112 : index
        %swap3A_296 = tpu.vector_load %arg20[%swap3A_294, %swap3A_295] {strides = array<i32>} : memref<80x128xf32, #tpu.memory_space<vmem>>, vector<1x16xf32>,
        %swap3A_297 = vector.shape_cast %swap3A_296 : vector<1x16xf32> to vector<16xf32>
        %swap3A_298 = vector.shape_cast %add3A_293 : vector<16xf32> to vector<1x16xf32>
        tpu.vector_store %arg20[%swap3A_294, %swap3A_295], %swap3A_298 {strides = array<i32>} : memref<80x128xf32, #tpu.memory_space<vmem>>, vector<1x16xf32>,
      }
      %scan3A_135 = arith.constant 80 : i32
      %mul3A_136 = arith.constant 80 : i32
      %mul3A_137 = arith.muli %add3A_107, %mul3A_136 : i32
      %add3A_138 = arith.addi %mul3A_2, %mul3A_137 : i32
      %dma_start3A_139 = arith.constant 0 : i32
      %dma_start3A_140 = tpu.memref_slice %arg8[%add3A_138, %dma_start3A_139] : memref<204800x128xf32, #tpu.memory_space<hbm>> -> memref<80x128xf32, #tpu.memory_space<hbm>>
      %dma_start3A_141 = arith.constant 0 : i32
      %dma_start3A_142 = tpu.memref_slice %arg8[%add3A_138, %dma_start3A_141] : memref<204800x128xf32, #tpu.memory_space<hbm>> -> memref<80x128xf32, #tpu.memory_space<hbm>>
      tpu.enqueue_dma source(%arg20 : memref<80x128xf32, #tpu.memory_space<vmem>>) target(%dma_start3A_142 : memref<80x128xf32, #tpu.memory_space<hbm>>) target_semaphore(%arg28 : memref<!tpu.dma_semaphore, #tpu.memory_space<semaphore_mem>>)
      %lt3A_143 = arith.constant 39 : i32
      %lt3A_144 = arith.cmpi slt, %scan3A_61, %lt3A_143 : i32
      %convert_element_type3A_145 = arith.extui %lt3A_144 : i1 to i32
      %cond3A_146 = arith.constant 0 : i32
      %cond3A_147 = arith.cmpi ne, %convert_element_type3A_145, %cond3A_146 : i32
      scf.if %cond3A_147 {
        %add3A_148 = arith.constant 2 : i32
        %add3A_149 = arith.addi %add3A_107, %add3A_148 : i32
        %dma_start3A_150 = arith.constant 0 : i32
        %dma_start3A_151 = tpu.memref_slice %arg9[%add3A_149, %dma_start3A_150] : memref<80x80xi32, #tpu.memory_space<vmem>> -> memref<1x80xi32, #tpu.memory_space<vmem>>
        %dma_start3A_152 = tpu.memref_squeeze %dma_start3A_151 : memref<1x80xi32, #tpu.memory_space<vmem>> -> memref<80xi32, #tpu.memory_space<vmem>>
        %dma_start3A_153 = arith.constant 0 : i32
        %dma_start3A_154 = arith.constant 0 : i32
        %dma_start3A_155 = tpu.memref_slice %arg5[%dma_start3A_153, %dma_start3A_154] : memref<100000x128xf32, #tpu.memory_space<hbm>> -> memref<100000x128xf32, #tpu.memory_space<hbm>>
        tpu.enqueue_indirect_dma source(%dma_start3A_155 : memref<100000x128xf32, #tpu.memory_space<hbm>>) target(%arg17 : memref<80x128xf32, #tpu.memory_space<vmem>>) offsets(%dma_start3A_152 : memref<80xi32, #tpu.memory_space<vmem>>) semaphore(%arg25 : memref<!tpu.dma_semaphore, #tpu.memory_space<semaphore_mem>>)
        %dma_start3A_156 = arith.constant 0 : i32
        %dma_start3A_157 = tpu.memref_slice %arg10[%add3A_149, %dma_start3A_156] : memref<80x80xi32, #tpu.memory_space<vmem>> -> memref<1x80xi32, #tpu.memory_space<vmem>>
        %dma_start3A_158 = tpu.memref_squeeze %dma_start3A_157 : memref<1x80xi32, #tpu.memory_space<vmem>> -> memref<80xi32, #tpu.memory_space<vmem>>
        %dma_start3A_159 = arith.constant 0 : i32
        %dma_start3A_160 = arith.constant 0 : i32
        %dma_start3A_161 = tpu.memref_slice %arg6[%dma_start3A_159, %dma_start3A_160] : memref<100000x128xf32, #tpu.memory_space<hbm>> -> memref<100000x128xf32, #tpu.memory_space<hbm>>
        tpu.enqueue_indirect_dma source(%dma_start3A_161 : memref<100000x128xf32, #tpu.memory_space<hbm>>) target(%arg18 : memref<80x128xf32, #tpu.memory_space<vmem>>) offsets(%dma_start3A_158 : memref<80xi32, #tpu.memory_space<vmem>>) semaphore(%arg26 : memref<!tpu.dma_semaphore, #tpu.memory_space<semaphore_mem>>)
        %dma_start3A_162 = arith.constant 0 : i32
        %dma_start3A_163 = tpu.memref_slice %arg11[%add3A_149, %dma_start3A_162] : memref<80x80xi32, #tpu.memory_space<vmem>> -> memref<1x80xi32, #tpu.memory_space<vmem>>
        %dma_start3A_164 = tpu.memref_squeeze %dma_start3A_163 : memref<1x80xi32, #tpu.memory_space<vmem>> -> memref<80xi32, #tpu.memory_space<vmem>>
        %dma_start3A_165 = arith.constant 0 : i32
        %dma_start3A_166 = arith.constant 0 : i32
        %dma_start3A_167 = tpu.memref_slice %arg12[%dma_start3A_165, %dma_start3A_166] : memref<514x128xf32, #tpu.memory_space<vmem_shared>> -> memref<514x128xf32, #tpu.memory_space<vmem_shared>>
        tpu.enqueue_indirect_dma source(%dma_start3A_167 : memref<514x128xf32, #tpu.memory_space<vmem_shared>>) target(%arg19 : memref<80x128xf32, #tpu.memory_space<vmem>>) offsets(%dma_start3A_164 : memref<80xi32, #tpu.memory_space<vmem>>) semaphore(%arg27 : memref<!tpu.dma_semaphore, #tpu.memory_space<semaphore_mem>>)
      } else {
      }
    }
    %scan3A_49 = arith.constant 40 : i32
    %add3A_50 = arith.constant 6240 : i32
    %add3A_51 = arith.addi %mul3A_2, %add3A_50 : i32
    %dma_wait3A = arith.constant 0 : i32
    %dma_wait3A_52 = tpu.memref_slice %arg8[%add3A_51, %dma_wait3A] : memref<204800x128xf32, #tpu.memory_space<hbm>> -> memref<80x128xf32, #tpu.memory_space<hbm>>
    %dma_wait3A_53 = arith.constant 0 : i32
    %dma_wait3A_54 = tpu.memref_slice %arg8[%add3A_51, %dma_wait3A_53] : memref<204800x128xf32, #tpu.memory_space<hbm>> -> memref<80x128xf32, #tpu.memory_space<hbm>>
    tpu.wait_dma2 semaphore(%arg24 : memref<!tpu.dma_semaphore, #tpu.memory_space<semaphore_mem>>) src(%arg16 : memref<80x128xf32, #tpu.memory_space<vmem>>) dst(%dma_wait3A_54 : memref<80x128xf32, #tpu.memory_space<hbm>>)
    %add3A_55 = arith.constant 6320 : i32
    %add3A_56 = arith.addi %mul3A_2, %add3A_55 : i32
    %dma_wait3A_57 = arith.constant 0 : i32
    %dma_wait3A_58 = tpu.memref_slice %arg8[%add3A_56, %dma_wait3A_57] : memref<204800x128xf32, #tpu.memory_space<hbm>> -> memref<80x128xf32, #tpu.memory_space<hbm>>
    %dma_wait3A_59 = arith.constant 0 : i32
    %dma_wait3A_60 = tpu.memref_slice %arg8[%add3A_56, %dma_wait3A_59] : memref<204800x128xf32, #tpu.memory_space<hbm>> -> memref<80x128xf32, #tpu.memory_space<hbm>>
    tpu.wait_dma2 semaphore(%arg28 : memref<!tpu.dma_semaphore, #tpu.memory_space<semaphore_mem>>) src(%arg20 : memref<80x128xf32, #tpu.memory_space<vmem>>) dst(%dma_wait3A_60 : memref<80x128xf32, #tpu.memory_space<hbm>>)
    return
  }
}

</mosaic_0001>

<sc_bundles>
// kernel: _run.3.cloned.1.call-start
scs
__scs_entry_jumppad:
0x0: {  	(pc) =	sbr.rel $0x88, $3  }
0x1: {  	(tag) =	ssettag $0x0;
	lr =	simm.s32 $0x1  }
0x2: {  	[smem:$0x3F9B] =	sst lr;
	_ =	strace $0xD0000000  }
0x3: {  	_ = 	snop  }
0x4: {  	_ = 	snop  }
0x5: {  	_ = 	snop  }
0x6: {  	_ = 	snop  }
0x7: {  	_ = 	snop  }
__scs_overlays_trampoline_lowered:
0x8: {  	[smem:$0x3FAA] =	sst s0  }
0x9: {  	[smem:$0x3FAB] =	sst s1  }
0xa: {  	[smem:$0x3FAC] =	sst s2  }
0xb: {  	[smem:$0x3FAD] =	sst s3  }
0xc: {  	[smem:$0x3FAE] =	sst s4  }
0xd: {  	[smem:$0x3FAF] =	sst s5  }
0xe: {  	[smem:$0x3FB0] =	sst s6  }
0xf: {  	[smem:$0x3FB1] =	sst s7  }
0x10: {  	[smem:$0x3FB2] =	sst s8  }
0x11: {  	[smem:$0x3FB3] =	sst s9;
	s0 =	simm.s32 @!p0 $0x0  }
0x12: {  	s1 =	sld [smem:$0x3F99];
	s0 =	simm.s32 @p0 $0x1  }
0x13: {  	[smem:$0x3FB4] =	sst s0;
	s0 =	simm.s32 @!p1 $0x0  }
0x14: {  	s2 =	sld [smem:$0x3F98];
	s0 =	simm.s32 @p1 $0x1  }
0x15: {  	[smem:$0x3FB5] =	sst s0;
	s0 =	simm.s32 @!p2 $0x0  }
0x16: {  	s3 =	sld [smem:$0x3FDB];
	s0 =	simm.s32 @p2 $0x1  }
0x17: {  	s4 =	simm.s32 $0x1BF5;
	[smem:$0x3FB7] =	sst s0  }
0x18: {  	s0 =	sld [smem:$0x3F9A];
	_ =	swait.ge [sflag:s4], $0x0  }
0x19: {  	s7 =	sld [smem:$0x3F9B]  }
0x1a: {  	s8 =	sadd.s32 $0xFFFFE003, lr  }
0x1b: {  	s9 =	sadd.s32 $0xFFFFFEF7, lr;
	s5 =	simm.s32 $0xFFFFFFFF;
	p2 =	slt.u32 s8, $0xFFFFF086  }
0x1c: {  	p1 =	slt.u32 s9, $0xF7A;
	s5 =	simm.s32 @!p2 $0x0  }
0x1d: {  	s5 =	simm.s32 @p1 $0x1;
	p0 =	seq.s32 s7, s2  }
0x1e: {  	s7 =	smul.u32 @!p0 $0xF7A, s2;
	p2 =	seq.s32 @!p0 s5, $0x0  }
0x1f: {  	s9 =	smul.u32 $0xF7A, s1;
	s8 =	simm.s32 @!p0 $0x1BF5;
	p2 =	por !p2, p0  }
0x20: {  	[sflag:s8] =	ssyncset.s32 @!p0 $0xFFFFF086;
	s6 =	sadd.s32 @!p0 s3, s7;
	s7 =	simm.s32 @!p0 $0x108  }
0x21: {  	s3 =	sadd.s32 s3, s9;
	s6 =	sadd.s32 @!p0 $0x88, s6;
	s7 =	simm.s32 @p2 $0x1082  }
0x22: {  	[simem:s7], [sflag:s8] =	dma.local @!p0 [hbm:s6], $0xF7A  }
0x23: {  	s9 =	sor.u32 $0xD0000000, s2;
	s6 =	simm.s32 $0x108;
	_ =	swait.ge @!p0 [sflag:s8], $0x0  }
0x24: {  	s3 =	sadd.s32 $0x88, s3;
	s6 =	simm.s32 @!p1 $0x1082;
	[sflag:s4] =	ssyncset.s32 $0xFFFFF086  }
0x25: {  	[simem:s6], [sflag:s4] =	dma.local [hbm:s3], $0xF7A  }
0x26: {  	[smem:$0x3F9B] =	sst s1;
	(tag) =	ssettag s2;
	_ =	strace s9  }
0x27: {  	s1 =	sld [smem:$0x3FAB]  }
0x28: {  	s2 =	sld [smem:$0x3FAC]  }
0x29: {  	s4 =	sld [smem:$0x3FAE]  }
0x2a: {  	p0 =	seq.s32 s5, $0x0;
	s5 =	sld [smem:$0x3FAF]  }
0x2b: {  	s6 =	sld [smem:$0x3FB0]  }
0x2c: {  	s7 =	sld [smem:$0x3FB1]  }
0x2d: {  	s3 =	simm.s32 $0x108;
	s8 =	sld [smem:$0x3FB2]  }
0x2e: {  	s3 =	simm.s32 @!p0 $0x1082;
	s9 =	sld [smem:$0x3FB3]  }
0x2f: {  	lr =	sadd.s32 s0, s3;
	s0 =	sld [smem:$0x3FAA]  }
0x30: {  	s3 =	sld [smem:$0x3FAD]  }
0x31: {  	[smem:$0x3FB6] =	sst s10  }
0x32: {  	s10 =	sld [smem:$0x3FB4];
	_ =	sdelay $0x3  }
0x33: {  	p0 =	seq.s32 s10, $0x1;
	s10 =	sld [smem:$0x3FB6];
	_ =	sdelay $0x3  }
0x34: {  	[smem:$0x3FB6] =	sst s10  }
0x35: {  	s10 =	sld [smem:$0x3FB5];
	_ =	sdelay $0x3  }
0x36: {  	p1 =	seq.s32 s10, $0x1;
	s10 =	sld [smem:$0x3FB6];
	_ =	sdelay $0x3  }
0x37: {  	[smem:$0x3FB6] =	sst s10  }
0x38: {  	s10 =	sld [smem:$0x3FB7]  }
0x39: {  	_ = 	snop;
	(pc) =	sbr.ind lr, $3  }
0x3a: {  	_ = 	snop  }
0x3b: {  	_ = 	snop  }
0x3c: {  	p2 =	seq.s32 s10, $0x1;
	s10 =	sld [smem:$0x3FB6]  }
0x3d: {  	_ =	shalt  }
0x3e: {  	_ =	shalt  }
0x3f: {  	_ =	shalt  }
0x40: {  	_ =	shalt  }
0x41: {  	_ =	shalt  }
0x42: {  	_ =	shalt  }
0x43: {  	_ =	shalt  }
0x44: {  	_ =	shalt  }
0x45: {  	_ =	shalt  }
0x46: {  	_ =	shalt  }
0x47: {  	_ =	shalt  }
0x48: {  	_ =	shalt  }
0x49: {  	_ =	shalt  }
0x4a: {  	_ =	shalt  }
0x4b: {  	_ =	shalt  }
0x4c: {  	_ =	shalt  }
0x4d: {  	_ =	shalt  }
0x4e: {  	_ =	shalt  }
0x4f: {  	_ =	shalt  }
0x50: {  	_ =	shalt  }
0x51: {  	_ =	shalt  }
0x52: {  	_ =	shalt  }
0x53: {  	_ =	shalt  }
0x54: {  	_ =	shalt  }
0x55: {  	_ =	shalt  }
0x56: {  	_ =	shalt  }
0x57: {  	_ =	shalt  }
0x58: {  	_ =	shalt  }
0x59: {  	_ =	shalt  }
0x5a: {  	_ =	shalt  }
0x5b: {  	_ =	shalt  }
0x5c: {  	_ =	shalt  }
0x5d: {  	_ =	shalt  }
0x5e: {  	_ =	shalt  }
0x5f: {  	_ =	shalt  }
0x60: {  	_ =	shalt  }
0x61: {  	_ =	shalt  }
0x62: {  	_ =	shalt  }
0x63: {  	_ =	shalt  }
0x64: {  	_ =	shalt  }
0x65: {  	_ =	shalt  }
0x66: {  	_ =	shalt  }
0x67: {  	_ =	shalt  }
0x68: {  	_ =	shalt  }
0x69: {  	_ =	shalt  }
0x6a: {  	_ =	shalt  }
0x6b: {  	_ =	shalt  }
0x6c: {  	_ =	shalt  }
0x6d: {  	_ =	shalt  }
0x6e: {  	_ =	shalt  }
0x6f: {  	_ =	shalt  }
0x70: {  	_ =	shalt  }
0x71: {  	_ =	shalt  }
0x72: {  	_ =	shalt  }
0x73: {  	_ =	shalt  }
0x74: {  	_ =	shalt  }
0x75: {  	_ =	shalt  }
0x76: {  	_ =	shalt  }
0x77: {  	_ =	shalt  }
0x78: {  	_ =	shalt  }
0x79: {  	_ =	shalt  }
0x7a: {  	_ =	shalt  }
0x7b: {  	_ =	shalt  }
0x7c: {  	_ =	shalt  }
0x7d: {  	_ =	shalt  }
0x7e: {  	_ =	shalt  }
0x7f: {  	_ =	shalt  }
0x80: {  	_ =	shalt  }
0x81: {  	_ =	shalt  }
0x82: {  	_ =	shalt  }
0x83: {  	_ =	shalt  }
0x84: {  	_ =	shalt  }
0x85: {  	_ =	shalt  }
0x86: {  	_ =	shalt  }
0x87: {  	_ =	shalt  }
.Lfunc_end0:
.L_simem_size_0:
called_computation_lowered:
.L_overlay_start_0:
0x88: {  	s2 =	sld [smem:$0x3FD9]  }
0x89: {  	s3 =	sld [smem:$0x3FFE];
	_ =	sdelay $0x1  }
0x8a: {  	s1 =	srdreg.scid  }
0x8b: {  	s0 =	sand.u32 $0x1, s1  }
0x8c: {  	s18 =	sshll.u32 s0, $0xA;
	s2 =	sadd.s32 s3, s2  }
0x8d: {  	s2 =	sadd.s32 s2, s18  }
0x8e: {  	[smem:$0x3FC2] =	sst s2  }
0x8f: {  	_ = 	snop  }
0x90: {  	s2 =	sld [smem:$0x3FC9]  }
0x91: {  	s19 =	sld [smem:$0x3FC8]  }
0x92: {  	s4 =	sld [smem:$0x3FC7]  }
0x93: {  	s5 =	sld [smem:$0x3FC6]  }
0x94: {  	s6 =	sld [smem:$0x3FC5]  }
0x95: {  	s7 =	sld [smem:$0x3FC4]  }
0x96: {  	s8 =	sld [smem:$0x3FD0];
	(tm) =	ssettm $0x1  }
0x97: {  	s9 =	sld [smem:$0x3FFB];
	_ =	sdelay $0x3  }
0x98: {  	_ =	strace s9  }
0x99: {  	s9 =	sld [smem:$0x3FFC];
	_ =	sdelay $0x3  }
0x9a: {  	_ =	strace s9  }
0x9b: {  	s9 =	sld [smem:$0x3FFD];
	_ =	sdelay $0x3  }
0x9c: {  	_ =	strace s9  }
0x9d: {  	_ =	strace $0x8FFFFFFF  }
0x9e: {  	s20 =	sld [smem:$0x3FDB];
	_ =	sdelay $0x1  }
0x9f: {  	s10 =	simm.s32 $_scs_section_size  }
0xa0: {  	s11 =	simm.s32 $_size__tile_overlayer_lowered;
	s12 =	simm.s32 $_tile_overlayer_lowered  }
0xa1: {  	s23 =	simm.s32 $0x1BFF;
	s22 =	sshll.u32 s12, $0x1;
	s9 =	sadd.s32 s10, s20  }
0xa2: {  	s13 =	simm.s32 $0x0;
	s21 =	sshll.u32 s11, $0x1;
	s11 =	sadd.s32 s22, s9  }
0xa3: {  	[timem:s13], [sflag:s23] =	dma.local [hbm:s11], s21  }
0xa4: {  	_ =	swait.ge [sflag:s23], s21  }
0xa5: {  	s10 =	ssub.s32 $0x0, s21;
	[sflag:s23] =	ssyncset.done $0x0  }
0xa6: {  	[sflag:s23] =	ssyncadd.s32 s10;
	_ =	sdelay $0x1  }
0xa7: {  	s24 =	simm.s32 $0x1B8B  }
0xa8: {  	_ =	swait.ge [sflag:s24], $0x1  }
0xa9: {  	[sflag:s24] =	ssyncset.done $0x0  }
0xaa: {  	s25 =	simm.s32 $0x1B8E;
	[sflag:s24] =	ssyncadd.s32 $0xFFFFFFFF  }
0xab: {  	s26 =	simm.s32 $execute0_lowered;
	[smem:$0x3FD2] =	sst s25  }
0xac: {  	s10 =	sshll.u32 s26, $0x1;
	_ =	strace $0x80000046;
	[dreg:$0x1] =	wrdreg $0xFFFFFFFF  }
0xad: {  	s28 =	simm.s32 $_size_execute0_lowered;
	s9 =	sadd.s32 s9, s10;
	[dreg:$0x0] =	wrdreg $0x0  }
0xae: {  	s10 =	sshll.u32 s28, $0x1;
	[dreg:$0x2] =	wrdreg s9  }
0xaf: {  	[dreg:$0x3] =	wrdreg s10  }
0xb0: {  	[dreg:$0x4] =	wrdreg $0xC0  }
0xb1: {  	_ =	task [dreg:s13], $0x5FFFF  }
0xb2: {  	[dreg:$0x1] =	wrdreg $0xFFFFFFFF  }
0xb3: {  	[dreg:$0x0] =	wrdreg $0x60  }
0xb4: {  	[dreg:$0x2] =	wrdreg s2  }
0xb5: {  	[dreg:$0x3] =	wrdreg s19  }
0xb6: {  	[dreg:$0x4] =	wrdreg s4  }
0xb7: {  	[dreg:$0x5] =	wrdreg s5  }
0xb8: {  	[dreg:$0x6] =	wrdreg s6  }
0xb9: {  	[dreg:$0x7] =	wrdreg s7  }
0xba: {  	[dreg:$0x8] =	wrdreg s8  }
0xbb: {  	[dreg:$0x9] =	wrdreg $0x78000  }
0xbc: {  	[dreg:$0xa] =	wrdreg $0x9  }
0xbd: {  	_ =	task.clear_ibuf [dreg:s13], $0xBFFFF;
	_ =	strace $0x90000046  }
0xbe: {  	s29 =	simm.s32 $0x9;
	_ =	strace $0x80000048  }
0xbf: {  	_ =	swait.ge [sflag:s29], $0x1  }
0xc0: {  	[sflag:s29] =	ssyncadd.s32 $0xFFFFFFFF  }
0xc1: {  	_ =	strace $0x90000048  }
0xc2: {  	_ =	sfence  }
0xc3: {  	s30 =	sld [smem:$0x0];
	_ =	sdelay $0x2  }
0xc4: {  	s31 =	sshll.u32 s1, $0xD;
	s1 =	sshrl.u32 s1, $0x2  }
0xc5: {  	s3 =	sand.u32 $0x4000, s31;
	s1 =	sadd.s32 s1, s30  }
0xc6: {  	s0 =	sor.u32 s3, s0;
	s1 =	sshll.u32 s1, $0x11  }
0xc7: {  	s0 =	sor.u32 s1, s0  }
0xc8: {  	s0 =	sadd.s32 $0x8F2B, s0  }
0xc9: {  	[sflag:s0] =	ssyncadd.remote.s32 $0x1  }
0xca: {  	_ =	sfence.sel $0xFFFF  }
0xcb: {  	[dreg:$0x0] =	wrdreg $0xFFFFFFFF;
	(pc) =	sbr.abs _section_cstart, $3  }
0xcc: {  	[dreg:$0x1] =	wrdreg $0xFFFFFFFF  }
0xcd: {  	_ =	task.clear_ibuf [dreg:s13], $0x2FFFF;
	_ =	strace $0x9FFFFFFF  }
0xce: {  	(tm) =	ssettm $0x7FFFFFFF  }
0xcf: {  	_ =	shalt  }
tec
execute0_lowered:
.L_overlay_start_1:
0x0: {  	(tag) =	ssettag $0x1  }
0x1: {  	s2 =	rddreg [dreg:$0x0]  }
0x2: {  	s4 =	rddreg [dreg:$0x1]  }
0x3: {  	s8 =	rddreg [dreg:$0x2]  }
0x4: {  	s0 =	rddreg [dreg:$0x3]  }
0x5: {  	s1 =	rddreg [dreg:$0x4]  }
0x6: {  	s3 =	rddreg [dreg:$0x6]  }
0x7: {  	s6 =	srdreg.scid;
	s9 =	stileid.u32  }
0x8: {  	s5 =	rddreg [dreg:$0x7];
	s14 =	simm.s32 $0x9;
	s17 =	simm.s32 $0x50  }
0x9: {  	s22 =	simm.s32 $0x12810;
	s24 =	simm.s32 $0x15010;
	s28 =	simm.s32 $0x1  }
0xa: {  	s29 =	simm.s32 $0x2;
	s30 =	simm.s32 $0x3;
	s31 =	simm.s32 $0x10010  }
0xb: {  	s18 =	simm.s32 $0x7;
	s19 =	simm.s32 $0x1A010;
	s20 =	simm.s32 $0x4  }
0xc: {  	s21 =	simm.s32 $0x8;
	s7 =	sand.u32 $0x1, s6;
	s10 =	sshll.u32 s9, $0x1  }
0xd: {  	s23 =	simm.s32 $0x0;
	s6 =	simm.s32 $0x0;
	s10 =	sor.u32 s7, s10  }
0xe: {  	p0 =	sne.s32 s9, $0x0;
	[smem:$0x7FF] =	sst s6;
	s11 =	smul.u32 $0x500, s10  }
0xf: {  	s7 =	ssub.s32 $0x2, s7;
	s13 =	sshrl.u32 @!p0 s5, $0x3;
	_ =	strace $0x80000047  }
.Ltmp0:
0x10: {  	s12 =	sshrl.u32 s7, $0x1;
	s2 =	sadd.s32 s2, s11;
	(pc) =	sbr.rel .LBB2_1-.Ltmp0, $4  }
0x11: {  	s12 =	ssub.s32 s7, s12;
	s25 =	sadd.s32 s4, s11;
	[dreg:$0x9] =	wrdreg s2  }
0x12: {  	s7 =	smul.u32 $0x1900, s10;
	s26 =	sadd.s32 s8, s11;
	[dreg:$0xa] =	wrdreg s25  }
0x13: {  	s12 =	smax.u32 s12, $0x1;
	s4 =	simm.s32 $0x5;
	[dreg:$0xb] =	wrdreg s26  }
0x14: {  	s11 =	sor.u32 $0x50, s7;
	s26 =	simm.s32 $0x17810;
	s2 =	simm.s32 $0x6  }
.LBB2_8:
0x15: {  	s23 =	sadd.s32 $0x1, s23  }
0x16: {  	_ =	swait.ge [sflag:s20], $0x2800;
	p1 =	sne.s32 s23, s12  }
.Ltmp1:
0x17: {  	[sflag:s20] =	ssyncset.done $0x0;
	(pc) =	sbr.rel @!p1 .LBB2_9-.Ltmp1, $4  }
0x18: {  	[sflag:s20] =	ssyncadd.s32 $0xFFFFD800  }
0x19: {  	_ =	swait.ge [sflag:s21], $0x2800  }
0x1a: {  	[sflag:s21] =	ssyncset.done $0x0  }
0x1b: {  	[sflag:s21] =	ssyncadd.s32 $0xFFFFD800  }
.LBB2_1:
0x1c: {  	s8 =	simm.s32 @!p0 $0x1C09;
	s9 =	rddreg [dreg:$0x5]  }
0x1d: {  	[spmem:s13], [sflag:s8] =	dma.local @!p0 [hbm:s9], $0x2020  }
0x1e: {  	s8 =	simm.s32 @!p0 $0x9  }
0x1f: {  	_ =	swait.ge @!p0 [sflag:s8], $0x2020  }
0x20: {  	[sflag:s8] =	ssyncset.done @!p0 $0x0  }
0x21: {  	s9 =	rddreg [dreg:$0x9];
	[sflag:s8] =	ssyncadd.s32 @!p0 $0xFFFFDFE0  }
0x22: {  	[tilespmem:s6], [sflag:$0x9] =	stream.linear.gather [hbm4b:s9+s6], $0x2800, $0x38;
	[tilespmem:$0x1C810] =	vst v63  }
0x23: {  	_ =	swait.ge [sflag:s14], $0x2800  }
0x24: {  	[sflag:s14] =	ssyncset.done $0x0  }
0x25: {  	s9 =	simm.s32 $0x2800;
	s10 =	rddreg [dreg:$0xa];
	[sflag:s14] =	ssyncadd.s32 $0xFFFFD800  }
0x26: {  	[tilespmem:s9], [sflag:$0x9] =	stream.linear.gather [hbm4b:s10+s6], $0x2800, $0x38;
	[tilespmem:$0x1C810] =	vst v63  }
0x27: {  	_ =	swait.ge [sflag:s14], $0x2800  }
0x28: {  	[sflag:s14] =	ssyncset.done $0x0  }
0x29: {  	s10 =	simm.s32 $0x5000;
	s15 =	rddreg [dreg:$0xb];
	[sflag:s14] =	ssyncadd.s32 $0xFFFFD800  }
0x2a: {  	[tilespmem:s10], [sflag:$0x9] =	stream.linear.gather [hbm4b:s15+s6], $0x2800, $0x38;
	[tilespmem:$0x1C810] =	vst v63  }
0x2b: {  	_ =	swait.ge [sflag:s14], $0x2800  }
0x2c: {  	[sflag:s14] =	ssyncset.done $0x0  }
0x2d: {  	[sflag:s14] =	ssyncadd.s32 $0xFFFFD800  }
0x2e: {  	s16 =	simm.s32 $0x8810;
	[bflag:$0x0] =	sbarrier.arrive $0xFFFF  }
0x2f: {  	[tilespmem:s16], [sflag:$0x1] =	stream.indirect.gather [hbm4b:s0+s17], $0x80, s6, s17, $0xb8;
	[tilespmem:$0x1C810] =	vst v63  }
0x30: {  	s25 =	simm.s32 $0xB010  }
0x31: {  	[tilespmem:s25], [sflag:$0x2] =	stream.indirect.gather [hbm4b:s1+s17], $0x80, s9, s17, $0xb8;
	[tilespmem:$0x1C810] =	vst v63  }
0x32: {  	s9 =	simm.s32 $0xD810  }
0x33: {  	[tilespmem:s9], [sflag:$0x3] =	stream.indirect.gather [spmem:s5], $0x80, s10, s17, $0xb8;
	[tilespmem:$0x1C810] =	vst v63  }
0x34: {  	s15 =	simm.s32 $0x80  }
0x35: {  	[tilespmem:s22], [sflag:$0x5] =	stream.indirect.gather [hbm4b:s0+s17], $0x80, s15, s17, $0xb8;
	[tilespmem:$0x1C810] =	vst v63  }
0x36: {  	s16 =	simm.s32 $0x2880  }
0x37: {  	[tilespmem:s24], [sflag:$0x6] =	stream.indirect.gather [hbm4b:s1+s17], $0x80, s16, s17, $0xb8;
	[tilespmem:$0x1C810] =	vst v63  }
0x38: {  	s25 =	simm.s32 $0x5080  }
0x39: {  	[tilespmem:s26], [sflag:$0x7] =	stream.indirect.gather [spmem:s5], $0x80, s25, s17, $0xb8;
	[tilespmem:$0x1C810] =	vst v63  }
0x3a: {  	s25 =	simm.s32 $0x0  }
.LBB2_2:
0x3b: {  	_ =	swait.ge [sflag:s28], $0x2800  }
0x3c: {  	[sflag:s28] =	ssyncset.done $0x0  }
0x3d: {  	[sflag:s28] =	ssyncadd.s32 $0xFFFFD800  }
0x3e: {  	_ =	swait.ge [sflag:s29], $0x2800  }
0x3f: {  	[sflag:s29] =	ssyncset.done $0x0  }
0x40: {  	[sflag:s29] =	ssyncadd.s32 $0xFFFFD800  }
0x41: {  	_ =	swait.ge [sflag:s30], $0x2800  }
0x42: {  	p1 =	seq.s32 s25, $0x0;
	[sflag:s30] =	ssyncset.done $0x0  }
0x43: {  	s8 =	simm.s32 @!p1 $0x4;
	[sflag:s30] =	ssyncadd.s32 $0xFFFFD800  }
0x44: {  	_ =	swait.ge @!p1 [sflag:s8], $0x2800  }
0x45: {  	[sflag:s8] =	ssyncset.done @!p1 $0x0  }
0x46: {  	s15 =	simm.s32 $0x0;
	[sflag:s8] =	ssyncadd.s32 @!p1 $0xFFFFD800  }
0x47: {  	v0 =	vld [tilespmem:s15+$0x8880]  }
0x48: {  	v1 =	vld [tilespmem:s15+$0xB080]  }
0x49: {  	v2 =	vld [tilespmem:s15+$0x8810]  }
0x4a: {  	v3 =	vld [tilespmem:s15+$0xD880]  }
0x4b: {  	v4 =	vld [tilespmem:s15+$0xB010]  }
0x4c: {  	v5 =	vld [tilespmem:s15+$0x8820]  }
0x4d: {  	v6 =	vld [tilespmem:s15+$0xB020]  }
0x4e: {  	v7 =	vld [tilespmem:s15+$0xB030]  }
0x4f: {  	v9 =	vld [tilespmem:s15+$0xB040]  }
0x50: {  	v10 =	vld [tilespmem:s15+$0x8850]  }
0x51: {  	v11 =	vld [tilespmem:s15+$0xB050]  }
0x52: {  	v12 =	vld [tilespmem:s15+$0x8860]  }
0x53: {  	v13 =	vld [tilespmem:s15+$0xB060]  }
0x54: {  	v14 =	vld [tilespmem:s15+$0x8870]  }
0x55: {  	v15 =	vld [tilespmem:s15+$0xB070]  }
0x56: {  	v16 =	vld [tilespmem:s15+$0xD810]  }
0x57: {  	v0 =	vadd.f32 v1, v0;
	v1 =	vld [tilespmem:s15+$0x8830]  }
0x58: {  	v17 =	vld [tilespmem:s15+$0xD820]  }
0x59: {  	v0 =	vadd.f32 v3, v0;
	v3 =	vld [tilespmem:s15+$0x8840]  }
0x5a: {  	v18 =	vld [tilespmem:s15+$0xD830]  }
0x5b: {  	v8 =	vld [tilespmem:s15+$0xD840];
	v2 =	vadd.f32 v4, v2;
	v19 =	vadd.f32 v6, v5  }
0x5c: {  	v5 =	vld [tilespmem:s15+$0xD850];
	v4 =	vadd.f32 v13, v12;
	v20 =	vadd.f32 v7, v1  }
0x5d: {  	v6 =	vld [tilespmem:s15+$0xD860];
	v1 =	vadd.f32 v11, v10;
	v10 =	vadd.f32 v16, v2  }
0x5e: {  	s9 =	simm.s32 $0x80;
	[tilespmem:s15+$0x10080] =	vst v0;
	v7 =	vld [tilespmem:s15+$0xD870];
	v0 =	vadd.f32 v9, v3;
	v9 =	vadd.f32 v17, v19  }
0x5f: {  	s16 =	simm.s32 $0x400;
	s8 =	sshll.u32 s25, $0x8;
	v2 =	vadd.f32 v15, v14;
	v3 =	vld [tilespmem:s9+$0x8880];
	[tilespmem:s15+$0x10010] =	vst v10;
	v10 =	vadd.f32 v18, v20  }
.LBB2_3:
0x60: {  	p2 =	sne.s32 s16, $0x9E00;
	v11 =	vld [tilespmem:s9+$0xB080];
	[tilespmem:s15+$0x10020] =	vst v9;
	v0 =	vadd.f32 v8, v0  }
0x61: {  	v8 =	vld [tilespmem:s9+$0x8810];
	[tilespmem:s15+$0x10030] =	vst v10;
	v1 =	vadd.f32 v5, v1  }
0x62: {  	v5 =	vld [tilespmem:s9+$0xD880];
	[tilespmem:s15+$0x10040] =	vst v0;
	v0 =	vadd.f32 v6, v4  }
0x63: {  	v4 =	vld [tilespmem:s9+$0xB010];
	[tilespmem:s15+$0x10050] =	vst v1;
	v1 =	vadd.f32 v7, v2  }
0x64: {  	v2 =	vld [tilespmem:s9+$0x8820];
	[tilespmem:s15+$0x10060] =	vst v0  }
0x65: {  	v0 =	vld [tilespmem:s9+$0xB020];
	v3 =	vadd.f32 v11, v3;
	[tilespmem:s15+$0x10070] =	vst v1;
	s15 =	smov.u32 s9  }
0x66: {  	v1 =	vld [tilespmem:s15+$0x8830]  }
0x67: {  	v6 =	vld [tilespmem:s15+$0xB030];
	v3 =	vadd.f32 v5, v3  }
0x68: {  	v7 =	vadd.f32 v4, v8;
	v4 =	vld [tilespmem:s15+$0x8840]  }
0x69: {  	v5 =	vld [tilespmem:s15+$0xB040];
	[tilespmem:s15+$0x10080] =	vst v3  }
0x6a: {  	v3 =	vadd.f32 v0, v2;
	v2 =	vld [tilespmem:s15+$0x8850]  }
0x6b: {  	v8 =	vld [tilespmem:s15+$0xB050]  }
0x6c: {  	v10 =	vadd.f32 v6, v1;
	v6 =	vld [tilespmem:s15+$0x8860]  }
0x6d: {  	v9 =	vld [tilespmem:s15+$0xB060]  }
0x6e: {  	v0 =	vadd.f32 v5, v4;
	v11 =	vld [tilespmem:s15+$0x8870]  }
0x6f: {  	v12 =	vld [tilespmem:s15+$0xB070]  }
0x70: {  	v13 =	vld [tilespmem:s15+$0xD810];
	v1 =	vadd.f32 v8, v2  }
0x71: {  	v14 =	vld [tilespmem:s15+$0xD820]  }
0x72: {  	v15 =	vld [tilespmem:s15+$0xD830];
	v4 =	vadd.f32 v9, v6  }
.Ltmp2:
0x73: {  	v8 =	vld [tilespmem:s15+$0xD840];
	(pc) =	sbr.rel @p2 .LBB2_3-.Ltmp2, $4  }
0x74: {  	v5 =	vld [tilespmem:s15+$0xD850];
	v2 =	vadd.f32 v12, v11  }
0x75: {  	v11 =	vadd.f32 v13, v7;
	v6 =	vld [tilespmem:s15+$0xD860]  }
0x76: {  	s9 =	sshra.s32 s16, $0x2;
	v9 =	vadd.f32 v14, v3;
	v7 =	vld [tilespmem:s15+$0xD870]  }
0x77: {  	s16 =	sadd.s32 $0x200, s16;
	v3 =	vld [tilespmem:s9+$0x8880];
	[tilespmem:s15+$0x10010] =	vst v11;
	v10 =	vadd.f32 v15, v10  }
0x78: {  	v11 =	vld [tilespmem:s9+$0xB080];
	[tilespmem:s15+$0x10020] =	vst v9;
	v0 =	vadd.f32 v8, v0  }
0x79: {  	v9 =	vld [tilespmem:s9+$0x8810];
	[tilespmem:s15+$0x10030] =	vst v10;
	v1 =	vadd.f32 v5, v1  }
0x7a: {  	v8 =	vld [tilespmem:s9+$0xD880];
	[tilespmem:s15+$0x10040] =	vst v0;
	v4 =	vadd.f32 v6, v4  }
0x7b: {  	v0 =	vld [tilespmem:s9+$0xB010];
	[tilespmem:s15+$0x10050] =	vst v1;
	v2 =	vadd.f32 v7, v2  }
0x7c: {  	v1 =	vld [tilespmem:s9+$0x8820];
	[tilespmem:s15+$0x10060] =	vst v4  }
0x7d: {  	v4 =	vld [tilespmem:s9+$0xB020];
	[tilespmem:s15+$0x10070] =	vst v2  }
0x7e: {  	v2 =	vadd.f32 v11, v3;
	v3 =	vld [tilespmem:s9+$0x8830]  }
0x7f: {  	v5 =	vld [tilespmem:s9+$0xB030]  }
0x80: {  	v6 =	vld [tilespmem:s9+$0x8840]  }
0x81: {  	v7 =	vld [tilespmem:s9+$0xB040]  }
0x82: {  	v10 =	vld [tilespmem:s9+$0x8860]  }
0x83: {  	v11 =	vld [tilespmem:s9+$0xB060]  }
0x84: {  	v12 =	vld [tilespmem:s9+$0x8870]  }
0x85: {  	v13 =	vld [tilespmem:s9+$0xB070]  }
0x86: {  	v14 =	vld [tilespmem:s9+$0xD810]  }
0x87: {  	v15 =	vld [tilespmem:s9+$0xD820]  }
0x88: {  	v16 =	vld [tilespmem:s9+$0xD830];
	v2 =	vadd.f32 v8, v2  }
0x89: {  	v8 =	vld [tilespmem:s9+$0xB050]  }
0x8a: {  	[tilespmem:s9+$0x10080] =	vst v2;
	v2 =	vld [tilespmem:s9+$0x8850]  }
0x8b: {  	v0 =	vadd.f32 v0, v9;
	v9 =	vld [tilespmem:s9+$0xD840]  }
0x8c: {  	v1 =	vadd.f32 v4, v1;
	v4 =	vld [tilespmem:s9+$0xD850]  }
0x8d: {  	v3 =	vadd.f32 v5, v3;
	v0 =	vadd.f32 v14, v0;
	v5 =	vld [tilespmem:s9+$0xD860]  }
0x8e: {  	v6 =	vadd.f32 v7, v6;
	v7 =	vld [tilespmem:s9+$0xD870];
	v1 =	vadd.f32 v15, v1  }
0x8f: {  	[tilespmem:s9+$0x10010] =	vst v0;
	v0 =	vadd.f32 v16, v3;
	v2 =	vadd.f32 v8, v2  }
0x90: {  	v3 =	vadd.f32 v11, v10;
	[tilespmem:s9+$0x10020] =	vst v1;
	v1 =	vadd.f32 v9, v6  }
0x91: {  	s15 =	smul.u32 $0xA0, s25;
	v6 =	vadd.f32 v13, v12;
	[tilespmem:s9+$0x10030] =	vst v0;
	v0 =	vadd.f32 v4, v2  }
0x92: {  	[tilespmem:s9+$0x10040] =	vst v1;
	v1 =	vadd.f32 v5, v3  }
0x93: {  	s10 =	sadd.s32 s7, s15;
	[tilespmem:s9+$0x10050] =	vst v0;
	v0 =	vadd.f32 v7, v6  }
0x94: {  	s10 =	sshll.u32 s10, $0x4;
	[tilespmem:s9+$0x10060] =	vst v1  }
0x95: {  	p2 =	seq.s32 s25, $0x27;
	s16 =	sadd.s32 s3, s10;
	[tilespmem:s9+$0x10070] =	vst v0  }
0x96: {  	[hbm4b:s16+s6] =	stream.linear.scatter [tilespmem:s31], [sflag:$0x4], $0x2800, $0x38;
	[tilespmem:$0x1C810] =	vst v63  }
0x97: {  	s10 =	simm.s32 @!p2 $0x50;
	s9 =	sadd.s32 @!p2 $0x100, s8;
	s16 =	simm.s32 @!p2 $0x8810  }
0x98: {  	[tilespmem:s16], [sflag:$0x1] =	stream.indirect.gather @!p2 [hbm4b:s0+s10], $0x80, s9, s10, $0xb8;
	[tilespmem:$0x1C810] =	vst v63  }
0x99: {  	s9 =	sadd.s32 @!p2 $0x2900, s8;
	s16 =	simm.s32 @!p2 $0xB010  }
0x9a: {  	[tilespmem:s16], [sflag:$0x2] =	stream.indirect.gather @!p2 [hbm4b:s1+s10], $0x80, s9, s10, $0xb8;
	[tilespmem:$0x1C810] =	vst v63  }
0x9b: {  	s9 =	sadd.s32 @!p2 $0x5100, s8;
	s16 =	simm.s32 @!p2 $0xD810  }
0x9c: {  	[tilespmem:s16], [sflag:$0x3] =	stream.indirect.gather @!p2 [spmem:s5], $0x80, s9, s10, $0xb8;
	[tilespmem:$0x1C810] =	vst v63  }
0x9d: {  	_ =	swait.ge [sflag:s4], $0x2800  }
0x9e: {  	[sflag:s4] =	ssyncset.done $0x0  }
0x9f: {  	[sflag:s4] =	ssyncadd.s32 $0xFFFFD800  }
0xa0: {  	_ =	swait.ge [sflag:s2], $0x2800  }
0xa1: {  	[sflag:s2] =	ssyncset.done $0x0  }
0xa2: {  	[sflag:s2] =	ssyncadd.s32 $0xFFFFD800  }
0xa3: {  	_ =	swait.ge [sflag:s18], $0x2800  }
0xa4: {  	[sflag:s18] =	ssyncset.done $0x0  }
0xa5: {  	s9 =	simm.s32 @!p1 $0x8;
	[sflag:s18] =	ssyncadd.s32 $0xFFFFD800  }
0xa6: {  	_ =	swait.ge @!p1 [sflag:s9], $0x2800  }
0xa7: {  	[sflag:s9] =	ssyncset.done @!p1 $0x0  }
0xa8: {  	[sflag:s9] =	ssyncadd.s32 @!p1 $0xFFFFD800;
	s9 =	simm.s32 $0x0  }
0xa9: {  	v0 =	vld [tilespmem:s9+$0x12880]  }
0xaa: {  	v1 =	vld [tilespmem:s9+$0x15080]  }
0xab: {  	v2 =	vld [tilespmem:s9+$0x12810]  }
0xac: {  	v3 =	vld [tilespmem:s9+$0x17880]  }
0xad: {  	v4 =	vld [tilespmem:s9+$0x15010]  }
0xae: {  	v5 =	vld [tilespmem:s9+$0x12820]  }
0xaf: {  	v6 =	vld [tilespmem:s9+$0x15020]  }
0xb0: {  	v7 =	vld [tilespmem:s9+$0x15030]  }
0xb1: {  	v9 =	vld [tilespmem:s9+$0x15040]  }
0xb2: {  	v10 =	vld [tilespmem:s9+$0x12850]  }
0xb3: {  	v11 =	vld [tilespmem:s9+$0x15050]  }
0xb4: {  	v59 =	vld [tilespmem:s9+$0x12860]  }
0xb5: {  	v60 =	vld [tilespmem:s9+$0x15060]  }
0xb6: {  	v61 =	vld [tilespmem:s9+$0x12870]  }
0xb7: {  	v62 =	vld [tilespmem:s9+$0x15070]  }
0xb8: {  	v63 =	vld [tilespmem:s9+$0x17810]  }
0xb9: {  	v0 =	vadd.f32 v1, v0;
	v1 =	vld [tilespmem:s9+$0x12830]  }
0xba: {  	v17 =	vld [tilespmem:s9+$0x17820]  }
0xbb: {  	v0 =	vadd.f32 v3, v0;
	v3 =	vld [tilespmem:s9+$0x12840]  }
0xbc: {  	v18 =	vld [tilespmem:s9+$0x17830]  }
0xbd: {  	v8 =	vld [tilespmem:s9+$0x17840];
	v2 =	vadd.f32 v4, v2;
	v19 =	vadd.f32 v6, v5  }
0xbe: {  	v5 =	vld [tilespmem:s9+$0x17850];
	v4 =	vadd.f32 v60, v59;
	v20 =	vadd.f32 v7, v1  }
0xbf: {  	v6 =	vld [tilespmem:s9+$0x17860];
	v1 =	vadd.f32 v11, v10;
	v10 =	vadd.f32 v63, v2  }
0xc0: {  	s16 =	simm.s32 $0x80;
	[tilespmem:s9+$0x1A080] =	vst v0;
	v7 =	vld [tilespmem:s9+$0x17870];
	v0 =	vadd.f32 v9, v3;
	v9 =	vadd.f32 v17, v19  }
0xc1: {  	s10 =	simm.s32 $0x400;
	v2 =	vadd.f32 v62, v61;
	v3 =	vld [tilespmem:s16+$0x12880];
	[tilespmem:s9+$0x1A010] =	vst v10;
	v10 =	vadd.f32 v18, v20  }
.LBB2_5:
0xc2: {  	p1 =	sne.s32 s10, $0x9E00;
	v11 =	vld [tilespmem:s16+$0x15080];
	[tilespmem:s9+$0x1A020] =	vst v9;
	v0 =	vadd.f32 v8, v0  }
0xc3: {  	v8 =	vld [tilespmem:s16+$0x12810];
	[tilespmem:s9+$0x1A030] =	vst v10;
	v1 =	vadd.f32 v5, v1  }
0xc4: {  	v5 =	vld [tilespmem:s16+$0x17880];
	[tilespmem:s9+$0x1A040] =	vst v0;
	v0 =	vadd.f32 v6, v4  }
0xc5: {  	v4 =	vld [tilespmem:s16+$0x15010];
	[tilespmem:s9+$0x1A050] =	vst v1;
	v1 =	vadd.f32 v7, v2  }
0xc6: {  	v2 =	vld [tilespmem:s16+$0x12820];
	[tilespmem:s9+$0x1A060] =	vst v0  }
0xc7: {  	v0 =	vld [tilespmem:s16+$0x15020];
	v3 =	vadd.f32 v11, v3;
	[tilespmem:s9+$0x1A070] =	vst v1;
	s9 =	smov.u32 s16  }
0xc8: {  	v1 =	vld [tilespmem:s9+$0x12830]  }
0xc9: {  	v6 =	vld [tilespmem:s9+$0x15030];
	v3 =	vadd.f32 v5, v3  }
0xca: {  	v7 =	vadd.f32 v4, v8;
	v4 =	vld [tilespmem:s9+$0x12840]  }
0xcb: {  	v5 =	vld [tilespmem:s9+$0x15040];
	[tilespmem:s9+$0x1A080] =	vst v3  }
0xcc: {  	v3 =	vadd.f32 v0, v2;
	v2 =	vld [tilespmem:s9+$0x12850]  }
0xcd: {  	v8 =	vld [tilespmem:s9+$0x15050]  }
0xce: {  	v10 =	vadd.f32 v6, v1;
	v6 =	vld [tilespmem:s9+$0x12860]  }
0xcf: {  	v9 =	vld [tilespmem:s9+$0x15060]  }
0xd0: {  	v0 =	vadd.f32 v5, v4;
	v11 =	vld [tilespmem:s9+$0x12870]  }
0xd1: {  	v12 =	vld [tilespmem:s9+$0x15070]  }
0xd2: {  	v13 =	vld [tilespmem:s9+$0x17810];
	v1 =	vadd.f32 v8, v2  }
0xd3: {  	v14 =	vld [tilespmem:s9+$0x17820]  }
0xd4: {  	v15 =	vld [tilespmem:s9+$0x17830];
	v4 =	vadd.f32 v9, v6  }
.Ltmp3:
0xd5: {  	v8 =	vld [tilespmem:s9+$0x17840];
	(pc) =	sbr.rel @p1 .LBB2_5-.Ltmp3, $4  }
0xd6: {  	v5 =	vld [tilespmem:s9+$0x17850];
	v2 =	vadd.f32 v12, v11  }
0xd7: {  	v11 =	vadd.f32 v13, v7;
	v6 =	vld [tilespmem:s9+$0x17860]  }
0xd8: {  	s16 =	sshra.s32 s10, $0x2;
	v9 =	vadd.f32 v14, v3;
	v7 =	vld [tilespmem:s9+$0x17870]  }
0xd9: {  	s10 =	sadd.s32 $0x200, s10;
	v3 =	vld [tilespmem:s16+$0x12880];
	[tilespmem:s9+$0x1A010] =	vst v11;
	v10 =	vadd.f32 v15, v10  }
0xda: {  	v11 =	vld [tilespmem:s16+$0x15080];
	[tilespmem:s9+$0x1A020] =	vst v9;
	v0 =	vadd.f32 v8, v0  }
0xdb: {  	v9 =	vld [tilespmem:s16+$0x12810];
	[tilespmem:s9+$0x1A030] =	vst v10;
	v1 =	vadd.f32 v5, v1  }
0xdc: {  	v44 =	vld [tilespmem:s16+$0x17880];
	[tilespmem:s9+$0x1A040] =	vst v0;
	v4 =	vadd.f32 v6, v4  }
0xdd: {  	v0 =	vld [tilespmem:s16+$0x15010];
	[tilespmem:s9+$0x1A050] =	vst v1;
	v2 =	vadd.f32 v7, v2  }
0xde: {  	v1 =	vld [tilespmem:s16+$0x12820];
	[tilespmem:s9+$0x1A060] =	vst v4  }
0xdf: {  	v4 =	vld [tilespmem:s16+$0x15020];
	[tilespmem:s9+$0x1A070] =	vst v2  }
0xe0: {  	v46 =	vld [tilespmem:s16+$0x12830]  }
0xe1: {  	v47 =	vld [tilespmem:s16+$0x15030]  }
0xe2: {  	v48 =	vld [tilespmem:s16+$0x12840]  }
0xe3: {  	v49 =	vld [tilespmem:s16+$0x15040]  }
0xe4: {  	v50 =	vld [tilespmem:s16+$0x12850]  }
0xe5: {  	v51 =	vld [tilespmem:s16+$0x15050]  }
0xe6: {  	v10 =	vld [tilespmem:s16+$0x12860]  }
0xe7: {  	v52 =	vld [tilespmem:s16+$0x15060]  }
0xe8: {  	v12 =	vld [tilespmem:s16+$0x12870]  }
0xe9: {  	v13 =	vld [tilespmem:s16+$0x15070]  }
0xea: {  	v14 =	vld [tilespmem:s16+$0x17810]  }
0xeb: {  	v15 =	vld [tilespmem:s16+$0x17820]  }
0xec: {  	v45 =	vadd.f32 v11, v3;
	v16 =	vld [tilespmem:s16+$0x17830]  }
0xed: {  	v53 =	vld [tilespmem:s16+$0x17840];
	v0 =	vadd.f32 v0, v9  }
0xee: {  	v54 =	vld [tilespmem:s16+$0x17850];
	v2 =	vadd.f32 v44, v45;
	v1 =	vadd.f32 v4, v1  }
0xef: {  	v55 =	vld [tilespmem:s16+$0x17860];
	v3 =	vadd.f32 v47, v46;
	v0 =	vadd.f32 v14, v0  }
0xf0: {  	v56 =	vld [tilespmem:s16+$0x17870];
	[tilespmem:s16+$0x1A080] =	vst v2;
	v6 =	vadd.f32 v49, v48;
	v1 =	vadd.f32 v15, v1  }
0xf1: {  	v2 =	vadd.f32 v51, v50;
	[tilespmem:s16+$0x1A010] =	vst v0;
	v57 =	vadd.f32 v16, v3  }
0xf2: {  	v58 =	vadd.f32 v52, v10;
	v59 =	vadd.f32 v53, v6;
	[tilespmem:s16+$0x1A020] =	vst v1  }
0xf3: {  	v60 =	vadd.f32 v13, v12;
	v61 =	vadd.f32 v54, v2;
	[tilespmem:s16+$0x1A030] =	vst v57  }
.Ltmp4:
0xf4: {  	v62 =	vadd.f32 v55, v58;
	[tilespmem:s16+$0x1A040] =	vst v59;
	(pc) =	sbr.rel @p2 .LBB2_8-.Ltmp4, $4  }
0xf5: {  	s15 =	sadd.s32 s15, s11;
	v63 =	vadd.f32 v56, v60;
	[tilespmem:s16+$0x1A050] =	vst v61  }
0xf6: {  	s9 =	sshll.u32 s15, $0x4;
	[tilespmem:s16+$0x1A060] =	vst v62  }
0xf7: {  	s9 =	sadd.s32 s3, s9;
	[tilespmem:s16+$0x1A070] =	vst v63  }
0xf8: {  	[hbm4b:s9+s6] =	stream.linear.scatter [tilespmem:s19], [sflag:$0x8], $0x2800, $0x38;
	[tilespmem:$0x1C810] =	vst v63  }
0xf9: {  	s9 =	sadd.s32 $0x180, s8  }
0xfa: {  	[tilespmem:s22], [sflag:$0x5] =	stream.indirect.gather [hbm4b:s0+s17], $0x80, s9, s17, $0xb8;
	[tilespmem:$0x1C810] =	vst v63  }
.Ltmp5:
0xfb: {  	_ = 	snop;
	(pc) =	sbr.rel .LBB2_2-.Ltmp5, $4  }
0xfc: {  	s15 =	sadd.s32 $0x2980, s8  }
0xfd: {  	[tilespmem:s24], [sflag:$0x6] =	stream.indirect.gather [hbm4b:s1+s17], $0x80, s15, s17, $0xb8;
	[tilespmem:$0x1C810] =	vst v63  }
0xfe: {  	s16 =	sadd.s32 $0x5180, s8;
	s25 =	sadd.s32 $0x1, s25  }
0xff: {  	[tilespmem:s26], [sflag:$0x7] =	stream.indirect.gather [spmem:s5], $0x80, s16, s17, $0xb8;
	[tilespmem:$0x1C810] =	vst v63  }
.LBB2_9:
0x100: {  	_ =	sfence.sel $0x180000  }
0x101: {  	[bflag:$0x0] =	sbarrier.arrive $0xFFFF  }
0x102: {  	_ =	strace $0x90000047  }
0x103: {  	[bflag:$0x2] =	sbarrier.arrive $0xFFFF  }
0x104: {  	s0 =	rddreg [dreg:$0x8]  }
0x105: {  	s0 =	sadd.s32 @!p0 $0x100000, s0  }
0x106: {  	[sflag:s0] =	ssyncadd.tile.s32 @!p0 $0x1;
	_ =	shalt  }
.Lfunc_end2:
_tile_overlayer_lowered:
.L_overlay_start_2:
0x107: {  	(tag) =	ssettag $0x2  }
0x108: {  	s0 =	rddreg [dreg:$0x0];
	s2 =	stileid.u32  }
0x109: {  	s1 =	rddreg [dreg:$0x1];
	p0 =	sne.s32 s2, $0x0  }
0x10a: {  	s3 =	rddreg [dreg:$0x2];
	[bflag:$0x3] =	sbarrier.arrive $0xFFFF;
	s2 =	simm.s32 @!p0 $0x1C09  }
0x10b: {  	[timem:s3], [sflag:s2] =	dma.local @!p0 [hbm:s0], s1  }
0x10c: {  	s0 =	simm.s32 @!p0 $0x9  }
0x10d: {  	_ =	swait.ge @!p0 [sflag:s0], s1  }
0x10e: {  	s1 =	ssub.s32 @!p0 $0x0, s1;
	[sflag:s0] =	ssyncset.done @!p0 $0x0  }
0x10f: {  	[sflag:s0] =	ssyncadd.s32 @!p0 s1  }
0x110: {  	[bflag:$0x3] =	sbarrier.arrive $0xFFFF  }
0x111: {  	_ =	shalt  }

</sc_bundles>
